<compile_context>
chip_gen: v7x
topology: tpu7x:2x2x1
jax: 0.10.2.dev20260603
libtpu: 0.0.44.dev20260713+nightly
codegen_flags: <defaults>
</compile_context>

<pallas_src>
import functools

import jax
import jax.numpy as jnp
from jax import lax
from jax.experimental import pallas as pl
from jax.experimental.pallas import tpu as pltpu
from jax.experimental.pallas import tpu_sc as plsc

BS = 4
NUM_ROWS = 256
NUM_XS = 64
LANES = 16
NUM_GROUPS = BS * NUM_ROWS // LANES
NUM_CORES = 2
NUM_SUBCORES = 16
NUM_WORKERS = NUM_CORES * NUM_SUBCORES
SC_BATCHES = 2
SC_GROUPS = SC_BATCHES * NUM_ROWS // LANES
TC_ROW_BLOCK = 64
SLOPE = 0.2
UNROLL = 8
CHAINS = 2


def _attn_layer(f_ref, a_ref, ca, cb, cc, out_ref):
    zero = jnp.zeros((LANES,), jnp.float32)

    def a_body(i, _):
        a_ref[i] = f_ref[i] * ca
        return 0

    lax.fori_loop(0, NUM_XS, a_body, 0)

    def j_body(jj, acc):
        j = jj * 2
        bjc0 = f_ref[j] * cb + cc
        bjc1 = f_ref[j + 1] * cb + cc

        def i_body(ii, c):
            i = ii * UNROLL
            new = list(c)
            for k in range(UNROLL):
                fi = f_ref[i + k]
                ai = a_ref[i + k]
                z0 = ai + bjc0
                l0 = jnp.maximum(z0, SLOPE * z0)
                e0 = jnp.exp(l0)
                z1 = ai + bjc1
                l1 = jnp.maximum(z1, SLOPE * z1)
                e1 = jnp.exp(l1)
                kk = k % CHAINS
                d0, n0, d1, n1 = new[kk]
                new[kk] = (d0 + e0, n0 + e0 * fi, d1 + e1, n1 + e1 * fi)
            return tuple(new)

        c = lax.fori_loop(
            0, NUM_XS // UNROLL, i_body, ((zero, zero, zero, zero),) * CHAINS
        )
        den0, num0, den1, num1 = c[0]
        for k in range(1, CHAINS):
            den0 = den0 + c[k][0]
            num0 = num0 + c[k][1]
            den1 = den1 + c[k][2]
            num1 = num1 + c[k][3]
        sj0 = num0 / (den0 + 1e-16)
        sj1 = num1 / (den1 + 1e-16)
        if out_ref is None:
            return acc + (sj0 + sj1)
        out_ref[j] = sj0
        out_ref[j + 1] = sj1
        return acc

    return lax.fori_loop(0, NUM_XS // 2, j_body, zero)


def _make_sc_forward():
    mesh = plsc.VectorSubcoreMesh(core_axis_name="c", subcore_axis_name="s")

    @functools.partial(
        pl.kernel,
        mesh=mesh,
        out_type=jax.ShapeDtypeStruct((SC_GROUPS, LANES), jnp.float32),
        scratch_types=[
            pltpu.VMEM((8, LANES), jnp.float32),
            pltpu.VMEM((NUM_XS, LANES), jnp.float32),
            pltpu.VMEM((NUM_XS, LANES), jnp.float32),
            pltpu.VMEM((NUM_XS, LANES), jnp.float32),
            pltpu.VMEM((LANES,), jnp.float32),
            pltpu.SemaphoreType.DMA,
        ],
    )
    def sc_forward(
        xt_hbm, coef_hbm, out_hbm,
        coef_vm, x_vm, a_vm, s_vm, t_vm, sem,
    ):
        wid = lax.axis_index("s") * NUM_CORES + lax.axis_index("c")
        b = wid // (SC_GROUPS // SC_BATCHES)
        cp = pltpu.async_copy(xt_hbm.at[wid], x_vm, sem)
        pltpu.sync_copy(coef_hbm.at[b], coef_vm)
        ca1 = coef_vm[0]
        cb1 = coef_vm[1]
        ca2 = coef_vm[2]
        cb2 = coef_vm[3]
        cc2 = coef_vm[4]
        zero = jnp.zeros((LANES,), jnp.float32)

        cp.wait()
        _attn_layer(x_vm, a_vm, ca1, cb1, zero, s_vm)
        t_vm[...] = _attn_layer(s_vm, a_vm, ca2, cb2, cc2, None)
        pltpu.sync_copy(t_vm, out_hbm.at[wid])

    return sc_forward


_sc_forward = _make_sc_forward()


def _tc_body(coef_ref, x_ref, out_ref):
    coefs = coef_ref[0]
    x = x_ref[0]

    def layer(f, ca, cb, cc):
        a = f * ca
        b_ = f * cb + cc
        z = a[:, :, None] + b_[:, None, :]
        l = jnp.maximum(z, SLOPE * z)
        e = jnp.exp(l)
        den = e.sum(axis=1)
        num = (e * f[:, :, None]).sum(axis=1)
        return num / (den + 1e-16)

    s = layer(x, coefs[0:1, :], coefs[1:2, :], jnp.float32(0.0))
    t = layer(s, coefs[2:3, :], coefs[3:4, :], coefs[4:5, :])
    out_ref[0, 0] = t.sum(axis=1)


def _tc_forward(x_tc, coef_tc):
    b_tc = x_tc.shape[0]
    n_blk = NUM_ROWS // TC_ROW_BLOCK
    out = pl.pallas_call(
        _tc_body,
        grid=(b_tc, n_blk),
        in_specs=[
            pl.BlockSpec((1, 8, NUM_XS), lambda b, r: (b, 0, 0)),
            pl.BlockSpec((1, TC_ROW_BLOCK, NUM_XS), lambda b, r: (b, r, 0)),
        ],
        out_specs=pl.BlockSpec(
            (1, 1, TC_ROW_BLOCK), lambda b, r: (b * n_blk + r, 0, 0)
        ),
        out_shape=jax.ShapeDtypeStruct(
            (b_tc * n_blk, 1, TC_ROW_BLOCK), jnp.float32
        ),
    )(coef_tc, x_tc)
    return out.reshape(b_tc, NUM_ROWS)


def kernel(xs, lin1, src1, dst1, bias1, lin2, src2, dst2, bias2, W_out, b_out):
    bs, num_rows, num_xs = xs.shape

    w1 = lin1[:, :, 0]
    cs1 = jnp.einsum("bi,bi->b", w1, src1)
    cd1 = jnp.einsum("bi,bi->b", w1, dst1)
    u = jnp.einsum("bij,bj->bi", lin2, w1)
    v = jnp.einsum("bij,bj->bi", lin2, bias1)
    p2 = jnp.einsum("bi,bi->b", u, src2)
    pc2 = jnp.einsum("bi,bi->b", v, src2)
    q2 = jnp.einsum("bi,bi->b", u, dst2)
    qc2 = jnp.einsum("bi,bi->b", v, dst2)
    coef = jnp.stack(
        [cs1, cd1, p2, q2, pc2 + qc2,
         jnp.zeros_like(cs1), jnp.zeros_like(cs1), jnp.zeros_like(cs1)],
        axis=1,
    )

    xt = xs[:SC_BATCHES].reshape(SC_BATCHES, NUM_ROWS // LANES, LANES, num_xs)
    xt = xt.transpose(0, 1, 3, 2).reshape(SC_GROUPS, num_xs, LANES)
    coef_sc = jnp.broadcast_to(
        coef[:SC_BATCHES, :, None], (SC_BATCHES, 8, LANES)
    )
    T_sc = _sc_forward(xt, coef_sc)
    T_sc = T_sc.reshape(SC_BATCHES, NUM_ROWS)

    coef_tc = jnp.broadcast_to(
        coef[SC_BATCHES:, :, None], (bs - SC_BATCHES, 8, NUM_XS)
    )
    T_tc = _tc_forward(xs[SC_BATCHES:], coef_tc)

    T = jnp.concatenate([T_sc, T_tc], axis=0)

    g2 = jnp.einsum("bi,oi->bo", u, W_out)
    c2 = jnp.einsum("bi,oi->bo", num_xs * (v + bias2), W_out) + b_out
    return T[:, :, None] * g2[:, None, :] + c2[:, None, :]

# --- scband reference (transcript-rebuilt; emitter-appended) ---
"""Pipeline reference for scband-gnn-60842506715345 (READ-ONLY COPY).

The authoritative reference and input builder live on the scoring server;
editing this copy changes nothing except your own understanding.
"""

import jax, jax.numpy as jnp
import numpy as np

BS = 4
NUM_ROWS = 256
NUM_XS = 64
OUT = 16


def build_edge_index(num_rows, num_xs):
    nodes = jnp.arange(num_xs)
    interleave = jnp.repeat(nodes, num_xs)
    rep = jnp.tile(nodes, (num_xs,))
    base = jnp.stack([interleave, rep])  # [2, num_xs**2]
    offsets = jnp.arange(num_rows) * num_xs
    ei = base[:, None, :] + offsets[None, :, None]
    return ei.reshape(2, -1)


def gat_conv(x, src_idx, dst_idx, n, lin_w, att_src, att_dst, bias):
    # functional single-head GATConv (PyG-style)
    h = x @ lin_w.T                         # [N, out]
    a_src = (h * att_src).sum(-1)           # [N]
    a_dst = (h * att_dst).sum(-1)           # [N]
    alpha = a_src[src_idx] + a_dst[dst_idx] # [E]
    alpha = jax.nn.leaky_relu(alpha, 0.2)
    m = jax.ops.segment_max(alpha, dst_idx, num_segments=n)
    e = jnp.exp(alpha - m[dst_idx])
    s = jax.ops.segment_sum(e, dst_idx, num_segments=n)
    attn = e / (s[dst_idx] + 1e-16)
    out = jax.ops.segment_sum(h[src_idx] * attn[:, None], dst_idx, num_segments=n)
    return out + bias


def setup_inputs(seed: int = 0) -> dict:
    key = jax.random.key(seed)
    ks = [jax.random.fold_in(key, i) for i in range(11)]
    inp = {
        "xs": jax.random.normal(ks[0], (BS, NUM_ROWS, NUM_XS), dtype=jnp.float32),
        "lin1": jax.random.normal(ks[1], (BS, OUT, 2), dtype=jnp.float32) * 0.1,
        "src1": jax.random.normal(ks[2], (BS, OUT), dtype=jnp.float32) * 0.1,
        "dst1": jax.random.normal(ks[3], (BS, OUT), dtype=jnp.float32) * 0.1,
        "bias1": jax.random.normal(ks[4], (BS, OUT), dtype=jnp.float32) * 0.1,
        "lin2": jax.random.normal(ks[5], (BS, OUT, OUT), dtype=jnp.float32) * 0.1,
        "src2": jax.random.normal(ks[6], (BS, OUT), dtype=jnp.float32) * 0.1,
        "dst2": jax.random.normal(ks[7], (BS, OUT), dtype=jnp.float32) * 0.1,
        "bias2": jax.random.normal(ks[8], (BS, OUT), dtype=jnp.float32) * 0.1,
        "W_out": jax.random.normal(ks[9], (2, OUT), dtype=jnp.float32) * 0.1,
        "b_out": jax.random.normal(ks[10], (2,), dtype=jnp.float32) * 0.1,
    }
    return inp


def reference(xs, lin1, src1, dst1, bias1, lin2, src2, dst2, bias2, W_out, b_out):
    bs, num_rows, num_xs = xs.shape
    n = num_rows * num_xs
    ei = build_edge_index(num_rows, num_xs)
    src_idx, dst_idx = ei[0], ei[1]
    x0 = xs.reshape(bs, -1)
    x0 = jnp.stack([x0, jnp.zeros_like(x0)], axis=-1)  # [bs, n, 2]
    outs = []
    for b in range(bs):
        x = x0[b]
        x = gat_conv(x, src_idx, dst_idx, n, lin1[b], src1[b], dst1[b], bias1[b])
        x = gat_conv(x, src_idx, dst_idx, n, lin2[b], src2[b], dst2[b], bias2[b])
        x = x.reshape(num_rows, num_xs, -1).sum(-2)  # [num_rows, out]
        outs.append(x)
    out = jnp.stack(outs)          # [bs, num_rows, out]
    out = out @ W_out.T + b_out    # [bs, num_rows, 2]
    return out

if __name__ == "__main__":
    import jax
    _d = setup_inputs()
    print(jax.jit(kernel)(*tuple(_d.values())))

</pallas_src>

<mosaic_0001>
#map = affine_map<(d0, d1) -> (0, 0, 0)>
#map1 = affine_map<(d0, d1) -> (0, 0)>
module attributes {stable_mosaic.version = 14 : i64} {
  func.func @sc_forward(%arg0: i32, %arg1: i32, %arg2: memref<32x64x16xf32, #tpu.memory_space<hbm>>, %arg3: memref<2x8x16xf32, #tpu.memory_space<hbm>>, %arg4: memref<32x16xf32, #tpu.memory_space<hbm>>, %arg5: memref<8x16xf32, #tpu.memory_space<vmem>>, %arg6: memref<64x16xf32, #tpu.memory_space<vmem>>, %arg7: memref<64x16xf32, #tpu.memory_space<vmem>>, %arg8: memref<64x16xf32, #tpu.memory_space<vmem>>, %arg9: memref<16xf32, #tpu.memory_space<vmem>>, %arg10: memref<!tpu.dma_semaphore, #tpu.memory_space<semaphore_mem>>) attributes {dimension_semantics = [#tpu.dimension_semantics<core_parallel>, #tpu.dimension_semantics<subcore_parallel>], iteration_bounds = array<i64: 2, 16>, scalar_prefetch = 0 : i64, scratch_operands = 6 : i64, tpu.core_type = #tpu.core_type<sc_vector_subcore>, window_params = [{transform_indices = #map}, {transform_indices = #map}, {transform_indices = #map1}]} {
    %mul3A = arith.constant 2 : i32
    %mul3A_0 = arith.muli %arg1, %mul3A : i32
    %add3A = arith.addi %mul3A_0, %arg0 : i32
    %jit3A = arith.constant 16 : i32
    %div3A = arith.divsi %add3A, %jit3A : i32
    %sign3A = arith.constant 0 : i32
    %sign3A_1 = arith.cmpi sgt, %add3A, %sign3A : i32
    %sign3A_2 = arith.extui %sign3A_1 : i1 to i32
    %sign3A_3 = arith.constant 0 : i32
    %sign3A_4 = arith.cmpi slt, %add3A, %sign3A_3 : i32
    %sign3A_5 = arith.extui %sign3A_4 : i1 to i32
    %sign3A_6 = arith.subi %sign3A_2, %sign3A_5 : i32
    %sign3A_7 = arith.constant 0 : i32
    %sign3A_8 = arith.cmpi sgt, %jit3A, %sign3A_7 : i32
    %sign3A_9 = arith.extui %sign3A_8 : i1 to i32
    %sign3A_10 = arith.constant 0 : i32
    %sign3A_11 = arith.cmpi slt, %jit3A, %sign3A_10 : i32
    %sign3A_12 = arith.extui %sign3A_11 : i1 to i32
    %sign3A_13 = arith.subi %sign3A_9, %sign3A_12 : i32
    %ne3A = arith.cmpi ne, %sign3A_6, %sign3A_13 : i32
    %rem3A = arith.remsi %add3A, %jit3A : i32
    %ne3A_14 = arith.constant 0 : i32
    %ne3A_15 = arith.cmpi ne, %rem3A, %ne3A_14 : i32
    %and3A = arith.andi %ne3A, %ne3A_15 : i1
    %sub3A = arith.constant 1 : i32
    %sub3A_16 = arith.subi %div3A, %sub3A : i32
    %select_n3A = arith.select %and3A, %sub3A_16, %div3A : i32
    %dma_start3A = arith.constant 0 : i32
    %dma_start3A_17 = arith.constant 0 : i32
    %dma_start3A_18 = tpu.memref_slice %arg2[%add3A, %dma_start3A, %dma_start3A_17] : memref<32x64x16xf32, #tpu.memory_space<hbm>> -> memref<1x64x16xf32, #tpu.memory_space<hbm>>
    %dma_start3A_19 = tpu.memref_squeeze %dma_start3A_18 : memref<1x64x16xf32, #tpu.memory_space<hbm>> -> memref<64x16xf32, #tpu.memory_space<hbm>>
    %dma_start3A_20 = arith.constant 0 : i32
    %dma_start3A_21 = arith.constant 0 : i32
    %dma_start3A_22 = tpu.memref_slice %arg2[%add3A, %dma_start3A_20, %dma_start3A_21] : memref<32x64x16xf32, #tpu.memory_space<hbm>> -> memref<1x64x16xf32, #tpu.memory_space<hbm>>
    %dma_start3A_23 = tpu.memref_squeeze %dma_start3A_22 : memref<1x64x16xf32, #tpu.memory_space<hbm>> -> memref<64x16xf32, #tpu.memory_space<hbm>>
    tpu.enqueue_dma source(%dma_start3A_23 : memref<64x16xf32, #tpu.memory_space<hbm>>) target(%arg6 : memref<64x16xf32, #tpu.memory_space<vmem>>) target_semaphore(%arg10 : memref<!tpu.dma_semaphore, #tpu.memory_space<semaphore_mem>>)
    "tpu.region"() ({
      %run_scoped3A = tpu.sem_alloc : memref<!tpu.dma_semaphore, #tpu.memory_space<semaphore_mem>>
      %dma_start3A_87 = arith.constant 0 : i32
      %dma_start3A_88 = arith.constant 0 : i32
      %dma_start3A_89 = tpu.memref_slice %arg3[%select_n3A, %dma_start3A_87, %dma_start3A_88] : memref<2x8x16xf32, #tpu.memory_space<hbm>> -> memref<1x8x16xf32, #tpu.memory_space<hbm>>
      %dma_start3A_90 = tpu.memref_squeeze %dma_start3A_89 : memref<1x8x16xf32, #tpu.memory_space<hbm>> -> memref<8x16xf32, #tpu.memory_space<hbm>>
      %dma_start3A_91 = arith.constant 0 : i32
      %dma_start3A_92 = arith.constant 0 : i32
      %dma_start3A_93 = tpu.memref_slice %arg3[%select_n3A, %dma_start3A_91, %dma_start3A_92] : memref<2x8x16xf32, #tpu.memory_space<hbm>> -> memref<1x8x16xf32, #tpu.memory_space<hbm>>
      %dma_start3A_94 = tpu.memref_squeeze %dma_start3A_93 : memref<1x8x16xf32, #tpu.memory_space<hbm>> -> memref<8x16xf32, #tpu.memory_space<hbm>>
      tpu.enqueue_dma source(%dma_start3A_94 : memref<8x16xf32, #tpu.memory_space<hbm>>) target(%arg5 : memref<8x16xf32, #tpu.memory_space<vmem>>) target_semaphore(%run_scoped3A : memref<!tpu.dma_semaphore, #tpu.memory_space<semaphore_mem>>)
      %dma_wait3A_95 = arith.constant 0 : i32
      %dma_wait3A_96 = arith.constant 0 : i32
      %dma_wait3A_97 = tpu.memref_slice %arg3[%select_n3A, %dma_wait3A_95, %dma_wait3A_96] : memref<2x8x16xf32, #tpu.memory_space<hbm>> -> memref<1x8x16xf32, #tpu.memory_space<hbm>>
      %dma_wait3A_98 = tpu.memref_squeeze %dma_wait3A_97 : memref<1x8x16xf32, #tpu.memory_space<hbm>> -> memref<8x16xf32, #tpu.memory_space<hbm>>
      %dma_wait3A_99 = arith.constant 0 : i32
      %dma_wait3A_100 = arith.constant 0 : i32
      %dma_wait3A_101 = tpu.memref_slice %arg3[%select_n3A, %dma_wait3A_99, %dma_wait3A_100] : memref<2x8x16xf32, #tpu.memory_space<hbm>> -> memref<1x8x16xf32, #tpu.memory_space<hbm>>
      %dma_wait3A_102 = tpu.memref_squeeze %dma_wait3A_101 : memref<1x8x16xf32, #tpu.memory_space<hbm>> -> memref<8x16xf32, #tpu.memory_space<hbm>>
      tpu.wait_dma2 semaphore(%run_scoped3A : memref<!tpu.dma_semaphore, #tpu.memory_space<semaphore_mem>>) src(%dma_wait3A_102 : memref<8x16xf32, #tpu.memory_space<hbm>>) dst(%arg5 : memref<8x16xf32, #tpu.memory_space<vmem>>)
      tpu.yield
    }) : () -> ()
    %get3A = arith.constant 0 : i32
    %get3A_24 = arith.index_cast %get3A : i32 to index
    %get3A_25 = arith.constant 0 : index
    %get3A_26 = tpu.vector_load %arg5[%get3A_24, %get3A_25] {strides = array<i32>} : memref<8x16xf32, #tpu.memory_space<vmem>>, vector<1x16xf32>,
    %get3A_27 = vector.shape_cast %get3A_26 : vector<1x16xf32> to vector<16xf32>
    %get3A_28 = arith.constant 1 : i32
    %get3A_29 = arith.index_cast %get3A_28 : i32 to index
    %get3A_30 = arith.constant 0 : index
    %get3A_31 = tpu.vector_load %arg5[%get3A_29, %get3A_30] {strides = array<i32>} : memref<8x16xf32, #tpu.memory_space<vmem>>, vector<1x16xf32>,
    %get3A_32 = vector.shape_cast %get3A_31 : vector<1x16xf32> to vector<16xf32>
    %get3A_33 = arith.constant 2 : i32
    %get3A_34 = arith.index_cast %get3A_33 : i32 to index
    %get3A_35 = arith.constant 0 : index
    %get3A_36 = tpu.vector_load %arg5[%get3A_34, %get3A_35] {strides = array<i32>} : memref<8x16xf32, #tpu.memory_space<vmem>>, vector<1x16xf32>,
    %get3A_37 = vector.shape_cast %get3A_36 : vector<1x16xf32> to vector<16xf32>
    %get3A_38 = arith.constant 3 : i32
    %get3A_39 = arith.index_cast %get3A_38 : i32 to index
    %get3A_40 = arith.constant 0 : index
    %get3A_41 = tpu.vector_load %arg5[%get3A_39, %get3A_40] {strides = array<i32>} : memref<8x16xf32, #tpu.memory_space<vmem>>, vector<1x16xf32>,
    %get3A_42 = vector.shape_cast %get3A_41 : vector<1x16xf32> to vector<16xf32>
    %get3A_43 = arith.constant 4 : i32
    %get3A_44 = arith.index_cast %get3A_43 : i32 to index
    %get3A_45 = arith.constant 0 : index
    %get3A_46 = tpu.vector_load %arg5[%get3A_44, %get3A_45] {strides = array<i32>} : memref<8x16xf32, #tpu.memory_space<vmem>>, vector<1x16xf32>,
    %get3A_47 = vector.shape_cast %get3A_46 : vector<1x16xf32> to vector<16xf32>
    %broadcast_in_dim3A = arith.constant 0.000000e+00 : f32
    %broadcast_in_dim3A_48 = vector.broadcast %broadcast_in_dim3A : f32 to vector<16xf32>
    %dma_wait3A = arith.constant 0 : i32
    %dma_wait3A_49 = arith.constant 0 : i32
    %dma_wait3A_50 = tpu.memref_slice %arg2[%add3A, %dma_wait3A, %dma_wait3A_49] : memref<32x64x16xf32, #tpu.memory_space<hbm>> -> memref<1x64x16xf32, #tpu.memory_space<hbm>>
    %dma_wait3A_51 = tpu.memref_squeeze %dma_wait3A_50 : memref<1x64x16xf32, #tpu.memory_space<hbm>> -> memref<64x16xf32, #tpu.memory_space<hbm>>
    %dma_wait3A_52 = arith.constant 0 : i32
    %dma_wait3A_53 = arith.constant 0 : i32
    %dma_wait3A_54 = tpu.memref_slice %arg2[%add3A, %dma_wait3A_52, %dma_wait3A_53] : memref<32x64x16xf32, #tpu.memory_space<hbm>> -> memref<1x64x16xf32, #tpu.memory_space<hbm>>
    %dma_wait3A_55 = tpu.memref_squeeze %dma_wait3A_54 : memref<1x64x16xf32, #tpu.memory_space<hbm>> -> memref<64x16xf32, #tpu.memory_space<hbm>>
    tpu.wait_dma2 semaphore(%arg10 : memref<!tpu.dma_semaphore, #tpu.memory_space<semaphore_mem>>) src(%dma_wait3A_55 : memref<64x16xf32, #tpu.memory_space<hbm>>) dst(%arg6 : memref<64x16xf32, #tpu.memory_space<vmem>>)
    %broadcast_in_dim3A_56 = arith.constant 0.000000e+00 : f32
    %broadcast_in_dim3A_57 = vector.broadcast %broadcast_in_dim3A_56 : f32 to vector<16xf32>
    %scan3A = arith.constant 0 : i32
    %scan3A_58 = arith.constant 0 : i32
    %scan3A_59 = arith.constant 64 : i32
    %scan3A_60 = arith.addi %scan3A_58, %scan3A_59 : i32
    %scan3A_61 = arith.constant 1 : i32
    %scan3A_62 = scf.for %scan3A_87 = %scan3A_58 to %scan3A_60 step %scan3A_61 iter_args(%scan3A_88 = %scan3A) -> (i32)  : i32 {
      %get3A_89 = arith.index_cast %scan3A_87 : i32 to index
      %get3A_90 = arith.constant 0 : index
      %get3A_91 = tpu.vector_load %arg6[%get3A_89, %get3A_90] {strides = array<i32>} : memref<64x16xf32, #tpu.memory_space<vmem>>, vector<1x16xf32>,
      %get3A_92 = vector.shape_cast %get3A_91 : vector<1x16xf32> to vector<16xf32>
      %mul3A_93 = arith.mulf %get3A_92, %get3A_27 : vector<16xf32>
      %swap3A_94 = arith.index_cast %scan3A_87 : i32 to index
      %swap3A_95 = arith.constant 0 : index
      %swap3A_96 = tpu.vector_load %arg7[%swap3A_94, %swap3A_95] {strides = array<i32>} : memref<64x16xf32, #tpu.memory_space<vmem>>, vector<1x16xf32>,
      %swap3A_97 = vector.shape_cast %swap3A_96 : vector<1x16xf32> to vector<16xf32>
      %swap3A_98 = vector.shape_cast %mul3A_93 : vector<16xf32> to vector<1x16xf32>
      tpu.vector_store %arg7[%swap3A_94, %swap3A_95], %swap3A_98 {strides = array<i32>} : memref<64x16xf32, #tpu.memory_space<vmem>>, vector<1x16xf32>,
      %scan3A_99 = arith.constant 0 : i32
      scf.yield %scan3A_99 : i32
    }
    %scan3A_63 = arith.constant 64 : i32
    %scan3A_64 = arith.constant 0 : i32
    %scan3A_65 = arith.constant 32 : i32
    %scan3A_66 = arith.addi %scan3A_64, %scan3A_65 : i32
    %scan3A_67 = arith.constant 1 : i32
    scf.for %scan3A_87 = %scan3A_64 to %scan3A_66 step %scan3A_67  : i32 {
      %mul3A_88 = arith.constant 2 : i32
      %mul3A_89 = arith.muli %scan3A_87, %mul3A_88 : i32
      %get3A_90 = arith.index_cast %mul3A_89 : i32 to index
      %get3A_91 = arith.constant 0 : index
      %get3A_92 = tpu.vector_load %arg6[%get3A_90, %get3A_91] {strides = array<i32>} : memref<64x16xf32, #tpu.memory_space<vmem>>, vector<1x16xf32>,
      %get3A_93 = vector.shape_cast %get3A_92 : vector<1x16xf32> to vector<16xf32>
      %mul3A_94 = arith.mulf %get3A_93, %get3A_32 : vector<16xf32>
      %add3A_95 = arith.addf %mul3A_94, %broadcast_in_dim3A_48 : vector<16xf32>
      %add3A_96 = arith.constant 1 : i32
      %add3A_97 = arith.addi %mul3A_89, %add3A_96 : i32
      %get3A_98 = arith.index_cast %add3A_97 : i32 to index
      %get3A_99 = arith.constant 0 : index
      %get3A_100 = tpu.vector_load %arg6[%get3A_98, %get3A_99] {strides = array<i32>} : memref<64x16xf32, #tpu.memory_space<vmem>>, vector<1x16xf32>,
      %get3A_101 = vector.shape_cast %get3A_100 : vector<1x16xf32> to vector<16xf32>
      %mul3A_102 = arith.mulf %get3A_101, %get3A_32 : vector<16xf32>
      %add3A_103 = arith.addf %mul3A_102, %broadcast_in_dim3A_48 : vector<16xf32>
      %scan3A_104 = arith.constant 0 : i32
      %scan3A_105 = arith.constant 8 : i32
      %scan3A_106 = arith.addi %scan3A_104, %scan3A_105 : i32
      %scan3A_107 = arith.constant 1 : i32
      %scan3A_108:8 = scf.for %scan3A_134 = %scan3A_104 to %scan3A_106 step %scan3A_107 iter_args(%scan3A_135 = %broadcast_in_dim3A_57, %scan3A_136 = %broadcast_in_dim3A_57, %scan3A_137 = %broadcast_in_dim3A_57, %scan3A_138 = %broadcast_in_dim3A_57, %scan3A_139 = %broadcast_in_dim3A_57, %scan3A_140 = %broadcast_in_dim3A_57, %scan3A_141 = %broadcast_in_dim3A_57, %scan3A_142 = %broadcast_in_dim3A_57) -> (vector<16xf32>, vector<16xf32>, vector<16xf32>, vector<16xf32>, vector<16xf32>, vector<16xf32>, vector<16xf32>, vector<16xf32>)  : i32 {
        %mul3A_143 = arith.constant 8 : i32
        %mul3A_144 = arith.muli %scan3A_134, %mul3A_143 : i32
        %add3A_145 = arith.constant 0 : i32
        %add3A_146 = arith.addi %mul3A_144, %add3A_145 : i32
        %get3A_147 = arith.index_cast %add3A_146 : i32 to index
        %get3A_148 = arith.constant 0 : index
        %get3A_149 = tpu.vector_load %arg6[%get3A_147, %get3A_148] {strides = array<i32>} : memref<64x16xf32, #tpu.memory_space<vmem>>, vector<1x16xf32>,
        %get3A_150 = vector.shape_cast %get3A_149 : vector<1x16xf32> to vector<16xf32>
        %add3A_151 = arith.constant 0 : i32
        %add3A_152 = arith.addi %mul3A_144, %add3A_151 : i32
        %get3A_153 = arith.index_cast %add3A_152 : i32 to index
        %get3A_154 = arith.constant 0 : index
        %get3A_155 = tpu.vector_load %arg7[%get3A_153, %get3A_154] {strides = array<i32>} : memref<64x16xf32, #tpu.memory_space<vmem>>, vector<1x16xf32>,
        %get3A_156 = vector.shape_cast %get3A_155 : vector<1x16xf32> to vector<16xf32>
        %add3A_157 = arith.addf %get3A_156, %add3A_95 : vector<16xf32>
        %mul3A_158 = arith.constant 2.000000e-01 : f32
        %mul3A_159 = vector.broadcast %mul3A_158 : f32 to vector<16xf32>
        %mul3A_160 = arith.mulf %mul3A_159, %add3A_157 : vector<16xf32>
        %max3A = arith.maximumf %add3A_157, %mul3A_160 : vector<16xf32>
        %exp3A = math.exp %max3A : vector<16xf32>
        %add3A_161 = arith.addf %get3A_156, %add3A_103 : vector<16xf32>
        %mul3A_162 = arith.constant 2.000000e-01 : f32
        %mul3A_163 = vector.broadcast %mul3A_162 : f32 to vector<16xf32>
        %mul3A_164 = arith.mulf %mul3A_163, %add3A_161 : vector<16xf32>
        %max3A_165 = arith.maximumf %add3A_161, %mul3A_164 : vector<16xf32>
        %exp3A_166 = math.exp %max3A_165 : vector<16xf32>
        %add3A_167 = arith.addf %scan3A_135, %exp3A : vector<16xf32>
        %mul3A_168 = arith.mulf %exp3A, %get3A_150 : vector<16xf32>
        %add3A_169 = arith.addf %scan3A_136, %mul3A_168 : vector<16xf32>
        %add3A_170 = arith.addf %scan3A_137, %exp3A_166 : vector<16xf32>
        %mul3A_171 = arith.mulf %exp3A_166, %get3A_150 : vector<16xf32>
        %add3A_172 = arith.addf %scan3A_138, %mul3A_171 : vector<16xf32>
        %add3A_173 = arith.constant 1 : i32
        %add3A_174 = arith.addi %mul3A_144, %add3A_173 : i32
        %get3A_175 = arith.index_cast %add3A_174 : i32 to index
        %get3A_176 = arith.constant 0 : index
        %get3A_177 = tpu.vector_load %arg6[%get3A_175, %get3A_176] {strides = array<i32>} : memref<64x16xf32, #tpu.memory_space<vmem>>, vector<1x16xf32>,
        %get3A_178 = vector.shape_cast %get3A_177 : vector<1x16xf32> to vector<16xf32>
        %add3A_179 = arith.constant 1 : i32
        %add3A_180 = arith.addi %mul3A_144, %add3A_179 : i32
        %get3A_181 = arith.index_cast %add3A_180 : i32 to index
        %get3A_182 = arith.constant 0 : index
        %get3A_183 = tpu.vector_load %arg7[%get3A_181, %get3A_182] {strides = array<i32>} : memref<64x16xf32, #tpu.memory_space<vmem>>, vector<1x16xf32>,
        %get3A_184 = vector.shape_cast %get3A_183 : vector<1x16xf32> to vector<16xf32>
        %add3A_185 = arith.addf %get3A_184, %add3A_95 : vector<16xf32>
        %mul3A_186 = arith.constant 2.000000e-01 : f32
        %mul3A_187 = vector.broadcast %mul3A_186 : f32 to vector<16xf32>
        %mul3A_188 = arith.mulf %mul3A_187, %add3A_185 : vector<16xf32>
        %max3A_189 = arith.maximumf %add3A_185, %mul3A_188 : vector<16xf32>
        %exp3A_190 = math.exp %max3A_189 : vector<16xf32>
        %add3A_191 = arith.addf %get3A_184, %add3A_103 : vector<16xf32>
        %mul3A_192 = arith.constant 2.000000e-01 : f32
        %mul3A_193 = vector.broadcast %mul3A_192 : f32 to vector<16xf32>
        %mul3A_194 = arith.mulf %mul3A_193, %add3A_191 : vector<16xf32>
        %max3A_195 = arith.maximumf %add3A_191, %mul3A_194 : vector<16xf32>
        %exp3A_196 = math.exp %max3A_195 : vector<16xf32>
        %add3A_197 = arith.addf %scan3A_139, %exp3A_190 : vector<16xf32>
        %mul3A_198 = arith.mulf %exp3A_190, %get3A_178 : vector<16xf32>
        %add3A_199 = arith.addf %scan3A_140, %mul3A_198 : vector<16xf32>
        %add3A_200 = arith.addf %scan3A_141, %exp3A_196 : vector<16xf32>
        %mul3A_201 = arith.mulf %exp3A_196, %get3A_178 : vector<16xf32>
        %add3A_202 = arith.addf %scan3A_142, %mul3A_201 : vector<16xf32>
        %add3A_203 = arith.constant 2 : i32
        %add3A_204 = arith.addi %mul3A_144, %add3A_203 : i32
        %get3A_205 = arith.index_cast %add3A_204 : i32 to index
        %get3A_206 = arith.constant 0 : index
        %get3A_207 = tpu.vector_load %arg6[%get3A_205, %get3A_206] {strides = array<i32>} : memref<64x16xf32, #tpu.memory_space<vmem>>, vector<1x16xf32>,
        %get3A_208 = vector.shape_cast %get3A_207 : vector<1x16xf32> to vector<16xf32>
        %add3A_209 = arith.constant 2 : i32
        %add3A_210 = arith.addi %mul3A_144, %add3A_209 : i32
        %get3A_211 = arith.index_cast %add3A_210 : i32 to index
        %get3A_212 = arith.constant 0 : index
        %get3A_213 = tpu.vector_load %arg7[%get3A_211, %get3A_212] {strides = array<i32>} : memref<64x16xf32, #tpu.memory_space<vmem>>, vector<1x16xf32>,
        %get3A_214 = vector.shape_cast %get3A_213 : vector<1x16xf32> to vector<16xf32>
        %add3A_215 = arith.addf %get3A_214, %add3A_95 : vector<16xf32>
        %mul3A_216 = arith.constant 2.000000e-01 : f32
        %mul3A_217 = vector.broadcast %mul3A_216 : f32 to vector<16xf32>
        %mul3A_218 = arith.mulf %mul3A_217, %add3A_215 : vector<16xf32>
        %max3A_219 = arith.maximumf %add3A_215, %mul3A_218 : vector<16xf32>
        %exp3A_220 = math.exp %max3A_219 : vector<16xf32>
        %add3A_221 = arith.addf %get3A_214, %add3A_103 : vector<16xf32>
        %mul3A_222 = arith.constant 2.000000e-01 : f32
        %mul3A_223 = vector.broadcast %mul3A_222 : f32 to vector<16xf32>
        %mul3A_224 = arith.mulf %mul3A_223, %add3A_221 : vector<16xf32>
        %max3A_225 = arith.maximumf %add3A_221, %mul3A_224 : vector<16xf32>
        %exp3A_226 = math.exp %max3A_225 : vector<16xf32>
        %add3A_227 = arith.addf %add3A_167, %exp3A_220 : vector<16xf32>
        %mul3A_228 = arith.mulf %exp3A_220, %get3A_208 : vector<16xf32>
        %add3A_229 = arith.addf %add3A_169, %mul3A_228 : vector<16xf32>
        %add3A_230 = arith.addf %add3A_170, %exp3A_226 : vector<16xf32>
        %mul3A_231 = arith.mulf %exp3A_226, %get3A_208 : vector<16xf32>
        %add3A_232 = arith.addf %add3A_172, %mul3A_231 : vector<16xf32>
        %add3A_233 = arith.constant 3 : i32
        %add3A_234 = arith.addi %mul3A_144, %add3A_233 : i32
        %get3A_235 = arith.index_cast %add3A_234 : i32 to index
        %get3A_236 = arith.constant 0 : index
        %get3A_237 = tpu.vector_load %arg6[%get3A_235, %get3A_236] {strides = array<i32>} : memref<64x16xf32, #tpu.memory_space<vmem>>, vector<1x16xf32>,
        %get3A_238 = vector.shape_cast %get3A_237 : vector<1x16xf32> to vector<16xf32>
        %add3A_239 = arith.constant 3 : i32
        %add3A_240 = arith.addi %mul3A_144, %add3A_239 : i32
        %get3A_241 = arith.index_cast %add3A_240 : i32 to index
        %get3A_242 = arith.constant 0 : index
        %get3A_243 = tpu.vector_load %arg7[%get3A_241, %get3A_242] {strides = array<i32>} : memref<64x16xf32, #tpu.memory_space<vmem>>, vector<1x16xf32>,
        %get3A_244 = vector.shape_cast %get3A_243 : vector<1x16xf32> to vector<16xf32>
        %add3A_245 = arith.addf %get3A_244, %add3A_95 : vector<16xf32>
        %mul3A_246 = arith.constant 2.000000e-01 : f32
        %mul3A_247 = vector.broadcast %mul3A_246 : f32 to vector<16xf32>
        %mul3A_248 = arith.mulf %mul3A_247, %add3A_245 : vector<16xf32>
        %max3A_249 = arith.maximumf %add3A_245, %mul3A_248 : vector<16xf32>
        %exp3A_250 = math.exp %max3A_249 : vector<16xf32>
        %add3A_251 = arith.addf %get3A_244, %add3A_103 : vector<16xf32>
        %mul3A_252 = arith.constant 2.000000e-01 : f32
        %mul3A_253 = vector.broadcast %mul3A_252 : f32 to vector<16xf32>
        %mul3A_254 = arith.mulf %mul3A_253, %add3A_251 : vector<16xf32>
        %max3A_255 = arith.maximumf %add3A_251, %mul3A_254 : vector<16xf32>
        %exp3A_256 = math.exp %max3A_255 : vector<16xf32>
        %add3A_257 = arith.addf %add3A_197, %exp3A_250 : vector<16xf32>
        %mul3A_258 = arith.mulf %exp3A_250, %get3A_238 : vector<16xf32>
        %add3A_259 = arith.addf %add3A_199, %mul3A_258 : vector<16xf32>
        %add3A_260 = arith.addf %add3A_200, %exp3A_256 : vector<16xf32>
        %mul3A_261 = arith.mulf %exp3A_256, %get3A_238 : vector<16xf32>
        %add3A_262 = arith.addf %add3A_202, %mul3A_261 : vector<16xf32>
        %add3A_263 = arith.constant 4 : i32
        %add3A_264 = arith.addi %mul3A_144, %add3A_263 : i32
        %get3A_265 = arith.index_cast %add3A_264 : i32 to index
        %get3A_266 = arith.constant 0 : index
        %get3A_267 = tpu.vector_load %arg6[%get3A_265, %get3A_266] {strides = array<i32>} : memref<64x16xf32, #tpu.memory_space<vmem>>, vector<1x16xf32>,
        %get3A_268 = vector.shape_cast %get3A_267 : vector<1x16xf32> to vector<16xf32>
        %add3A_269 = arith.constant 4 : i32
        %add3A_270 = arith.addi %mul3A_144, %add3A_269 : i32
        %get3A_271 = arith.index_cast %add3A_270 : i32 to index
        %get3A_272 = arith.constant 0 : index
        %get3A_273 = tpu.vector_load %arg7[%get3A_271, %get3A_272] {strides = array<i32>} : memref<64x16xf32, #tpu.memory_space<vmem>>, vector<1x16xf32>,
        %get3A_274 = vector.shape_cast %get3A_273 : vector<1x16xf32> to vector<16xf32>
        %add3A_275 = arith.addf %get3A_274, %add3A_95 : vector<16xf32>
        %mul3A_276 = arith.constant 2.000000e-01 : f32
        %mul3A_277 = vector.broadcast %mul3A_276 : f32 to vector<16xf32>
        %mul3A_278 = arith.mulf %mul3A_277, %add3A_275 : vector<16xf32>
        %max3A_279 = arith.maximumf %add3A_275, %mul3A_278 : vector<16xf32>
        %exp3A_280 = math.exp %max3A_279 : vector<16xf32>
        %add3A_281 = arith.addf %get3A_274, %add3A_103 : vector<16xf32>
        %mul3A_282 = arith.constant 2.000000e-01 : f32
        %mul3A_283 = vector.broadcast %mul3A_282 : f32 to vector<16xf32>
        %mul3A_284 = arith.mulf %mul3A_283, %add3A_281 : vector<16xf32>
        %max3A_285 = arith.maximumf %add3A_281, %mul3A_284 : vector<16xf32>
        %exp3A_286 = math.exp %max3A_285 : vector<16xf32>
        %add3A_287 = arith.addf %add3A_227, %exp3A_280 : vector<16xf32>
        %mul3A_288 = arith.mulf %exp3A_280, %get3A_268 : vector<16xf32>
        %add3A_289 = arith.addf %add3A_229, %mul3A_288 : vector<16xf32>
        %add3A_290 = arith.addf %add3A_230, %exp3A_286 : vector<16xf32>
        %mul3A_291 = arith.mulf %exp3A_286, %get3A_268 : vector<16xf32>
        %add3A_292 = arith.addf %add3A_232, %mul3A_291 : vector<16xf32>
        %add3A_293 = arith.constant 5 : i32
        %add3A_294 = arith.addi %mul3A_144, %add3A_293 : i32
        %get3A_295 = arith.index_cast %add3A_294 : i32 to index
        %get3A_296 = arith.constant 0 : index
        %get3A_297 = tpu.vector_load %arg6[%get3A_295, %get3A_296] {strides = array<i32>} : memref<64x16xf32, #tpu.memory_space<vmem>>, vector<1x16xf32>,
        %get3A_298 = vector.shape_cast %get3A_297 : vector<1x16xf32> to vector<16xf32>
        %add3A_299 = arith.constant 5 : i32
        %add3A_300 = arith.addi %mul3A_144, %add3A_299 : i32
        %get3A_301 = arith.index_cast %add3A_300 : i32 to index
        %get3A_302 = arith.constant 0 : index
        %get3A_303 = tpu.vector_load %arg7[%get3A_301, %get3A_302] {strides = array<i32>} : memref<64x16xf32, #tpu.memory_space<vmem>>, vector<1x16xf32>,
        %get3A_304 = vector.shape_cast %get3A_303 : vector<1x16xf32> to vector<16xf32>
        %add3A_305 = arith.addf %get3A_304, %add3A_95 : vector<16xf32>
        %mul3A_306 = arith.constant 2.000000e-01 : f32
        %mul3A_307 = vector.broadcast %mul3A_306 : f32 to vector<16xf32>
        %mul3A_308 = arith.mulf %mul3A_307, %add3A_305 : vector<16xf32>
        %max3A_309 = arith.maximumf %add3A_305, %mul3A_308 : vector<16xf32>
        %exp3A_310 = math.exp %max3A_309 : vector<16xf32>
        %add3A_311 = arith.addf %get3A_304, %add3A_103 : vector<16xf32>
        %mul3A_312 = arith.constant 2.000000e-01 : f32
        %mul3A_313 = vector.broadcast %mul3A_312 : f32 to vector<16xf32>
        %mul3A_314 = arith.mulf %mul3A_313, %add3A_311 : vector<16xf32>
        %max3A_315 = arith.maximumf %add3A_311, %mul3A_314 : vector<16xf32>
        %exp3A_316 = math.exp %max3A_315 : vector<16xf32>
        %add3A_317 = arith.addf %add3A_257, %exp3A_310 : vector<16xf32>
        %mul3A_318 = arith.mulf %exp3A_310, %get3A_298 : vector<16xf32>
        %add3A_319 = arith.addf %add3A_259, %mul3A_318 : vector<16xf32>
        %add3A_320 = arith.addf %add3A_260, %exp3A_316 : vector<16xf32>
        %mul3A_321 = arith.mulf %exp3A_316, %get3A_298 : vector<16xf32>
        %add3A_322 = arith.addf %add3A_262, %mul3A_321 : vector<16xf32>
        %add3A_323 = arith.constant 6 : i32
        %add3A_324 = arith.addi %mul3A_144, %add3A_323 : i32
        %get3A_325 = arith.index_cast %add3A_324 : i32 to index
        %get3A_326 = arith.constant 0 : index
        %get3A_327 = tpu.vector_load %arg6[%get3A_325, %get3A_326] {strides = array<i32>} : memref<64x16xf32, #tpu.memory_space<vmem>>, vector<1x16xf32>,
        %get3A_328 = vector.shape_cast %get3A_327 : vector<1x16xf32> to vector<16xf32>
        %add3A_329 = arith.constant 6 : i32
        %add3A_330 = arith.addi %mul3A_144, %add3A_329 : i32
        %get3A_331 = arith.index_cast %add3A_330 : i32 to index
        %get3A_332 = arith.constant 0 : index
        %get3A_333 = tpu.vector_load %arg7[%get3A_331, %get3A_332] {strides = array<i32>} : memref<64x16xf32, #tpu.memory_space<vmem>>, vector<1x16xf32>,
        %get3A_334 = vector.shape_cast %get3A_333 : vector<1x16xf32> to vector<16xf32>
        %add3A_335 = arith.addf %get3A_334, %add3A_95 : vector<16xf32>
        %mul3A_336 = arith.constant 2.000000e-01 : f32
        %mul3A_337 = vector.broadcast %mul3A_336 : f32 to vector<16xf32>
        %mul3A_338 = arith.mulf %mul3A_337, %add3A_335 : vector<16xf32>
        %max3A_339 = arith.maximumf %add3A_335, %mul3A_338 : vector<16xf32>
        %exp3A_340 = math.exp %max3A_339 : vector<16xf32>
        %add3A_341 = arith.addf %get3A_334, %add3A_103 : vector<16xf32>
        %mul3A_342 = arith.constant 2.000000e-01 : f32
        %mul3A_343 = vector.broadcast %mul3A_342 : f32 to vector<16xf32>
        %mul3A_344 = arith.mulf %mul3A_343, %add3A_341 : vector<16xf32>
        %max3A_345 = arith.maximumf %add3A_341, %mul3A_344 : vector<16xf32>
        %exp3A_346 = math.exp %max3A_345 : vector<16xf32>
        %add3A_347 = arith.addf %add3A_287, %exp3A_340 : vector<16xf32>
        %mul3A_348 = arith.mulf %exp3A_340, %get3A_328 : vector<16xf32>
        %add3A_349 = arith.addf %add3A_289, %mul3A_348 : vector<16xf32>
        %add3A_350 = arith.addf %add3A_290, %exp3A_346 : vector<16xf32>
        %mul3A_351 = arith.mulf %exp3A_346, %get3A_328 : vector<16xf32>
        %add3A_352 = arith.addf %add3A_292, %mul3A_351 : vector<16xf32>
        %add3A_353 = arith.constant 7 : i32
        %add3A_354 = arith.addi %mul3A_144, %add3A_353 : i32
        %get3A_355 = arith.index_cast %add3A_354 : i32 to index
        %get3A_356 = arith.constant 0 : index
        %get3A_357 = tpu.vector_load %arg6[%get3A_355, %get3A_356] {strides = array<i32>} : memref<64x16xf32, #tpu.memory_space<vmem>>, vector<1x16xf32>,
        %get3A_358 = vector.shape_cast %get3A_357 : vector<1x16xf32> to vector<16xf32>
        %add3A_359 = arith.constant 7 : i32
        %add3A_360 = arith.addi %mul3A_144, %add3A_359 : i32
        %get3A_361 = arith.index_cast %add3A_360 : i32 to index
        %get3A_362 = arith.constant 0 : index
        %get3A_363 = tpu.vector_load %arg7[%get3A_361, %get3A_362] {strides = array<i32>} : memref<64x16xf32, #tpu.memory_space<vmem>>, vector<1x16xf32>,
        %get3A_364 = vector.shape_cast %get3A_363 : vector<1x16xf32> to vector<16xf32>
        %add3A_365 = arith.addf %get3A_364, %add3A_95 : vector<16xf32>
        %mul3A_366 = arith.constant 2.000000e-01 : f32
        %mul3A_367 = vector.broadcast %mul3A_366 : f32 to vector<16xf32>
        %mul3A_368 = arith.mulf %mul3A_367, %add3A_365 : vector<16xf32>
        %max3A_369 = arith.maximumf %add3A_365, %mul3A_368 : vector<16xf32>
        %exp3A_370 = math.exp %max3A_369 : vector<16xf32>
        %add3A_371 = arith.addf %get3A_364, %add3A_103 : vector<16xf32>
        %mul3A_372 = arith.constant 2.000000e-01 : f32
        %mul3A_373 = vector.broadcast %mul3A_372 : f32 to vector<16xf32>
        %mul3A_374 = arith.mulf %mul3A_373, %add3A_371 : vector<16xf32>
        %max3A_375 = arith.maximumf %add3A_371, %mul3A_374 : vector<16xf32>
        %exp3A_376 = math.exp %max3A_375 : vector<16xf32>
        %add3A_377 = arith.addf %add3A_317, %exp3A_370 : vector<16xf32>
        %mul3A_378 = arith.mulf %exp3A_370, %get3A_358 : vector<16xf32>
        %add3A_379 = arith.addf %add3A_319, %mul3A_378 : vector<16xf32>
        %add3A_380 = arith.addf %add3A_320, %exp3A_376 : vector<16xf32>
        %mul3A_381 = arith.mulf %exp3A_376, %get3A_358 : vector<16xf32>
        %add3A_382 = arith.addf %add3A_322, %mul3A_381 : vector<16xf32>
        scf.yield %add3A_347, %add3A_349, %add3A_350, %add3A_352, %add3A_377, %add3A_379, %add3A_380, %add3A_382 : vector<16xf32>, vector<16xf32>, vector<16xf32>, vector<16xf32>, vector<16xf32>, vector<16xf32>, vector<16xf32>, vector<16xf32>
      }
      %scan3A_109 = arith.constant 8 : i32
      %add3A_110 = arith.addf %scan3A_108#0, %scan3A_108#4 : vector<16xf32>
      %add3A_111 = arith.addf %scan3A_108#1, %scan3A_108#5 : vector<16xf32>
      %add3A_112 = arith.addf %scan3A_108#2, %scan3A_108#6 : vector<16xf32>
      %add3A_113 = arith.addf %scan3A_108#3, %scan3A_108#7 : vector<16xf32>
      %add3A_114 = arith.constant 1.000000e-16 : f32
      %add3A_115 = vector.broadcast %add3A_114 : f32 to vector<16xf32>
      %add3A_116 = arith.addf %add3A_110, %add3A_115 : vector<16xf32>
      %div3A_117 = arith.divf %add3A_111, %add3A_116 : vector<16xf32>
      %add3A_118 = arith.constant 1.000000e-16 : f32
      %add3A_119 = vector.broadcast %add3A_118 : f32 to vector<16xf32>
      %add3A_120 = arith.addf %add3A_112, %add3A_119 : vector<16xf32>
      %div3A_121 = arith.divf %add3A_113, %add3A_120 : vector<16xf32>
      %swap3A_122 = arith.index_cast %mul3A_89 : i32 to index
      %swap3A_123 = arith.constant 0 : index
      %swap3A_124 = tpu.vector_load %arg8[%swap3A_122, %swap3A_123] {strides = array<i32>} : memref<64x16xf32, #tpu.memory_space<vmem>>, vector<1x16xf32>,
      %swap3A_125 = vector.shape_cast %swap3A_124 : vector<1x16xf32> to vector<16xf32>
      %swap3A_126 = vector.shape_cast %div3A_117 : vector<16xf32> to vector<1x16xf32>
      tpu.vector_store %arg8[%swap3A_122, %swap3A_123], %swap3A_126 {strides = array<i32>} : memref<64x16xf32, #tpu.memory_space<vmem>>, vector<1x16xf32>,
      %add3A_127 = arith.constant 1 : i32
      %add3A_128 = arith.addi %mul3A_89, %add3A_127 : i32
      %swap3A_129 = arith.index_cast %add3A_128 : i32 to index
      %swap3A_130 = arith.constant 0 : index
      %swap3A_131 = tpu.vector_load %arg8[%swap3A_129, %swap3A_130] {strides = array<i32>} : memref<64x16xf32, #tpu.memory_space<vmem>>, vector<1x16xf32>,
      %swap3A_132 = vector.shape_cast %swap3A_131 : vector<1x16xf32> to vector<16xf32>
      %swap3A_133 = vector.shape_cast %div3A_121 : vector<16xf32> to vector<1x16xf32>
      tpu.vector_store %arg8[%swap3A_129, %swap3A_130], %swap3A_133 {strides = array<i32>} : memref<64x16xf32, #tpu.memory_space<vmem>>, vector<1x16xf32>,
    }
    %scan3A_68 = arith.constant 32 : i32
    %broadcast_in_dim3A_69 = arith.constant 0.000000e+00 : f32
    %broadcast_in_dim3A_70 = vector.broadcast %broadcast_in_dim3A_69 : f32 to vector<16xf32>
    %scan3A_71 = arith.constant 0 : i32
    %scan3A_72 = arith.constant 0 : i32
    %scan3A_73 = arith.constant 64 : i32
    %scan3A_74 = arith.addi %scan3A_72, %scan3A_73 : i32
    %scan3A_75 = arith.constant 1 : i32
    %scan3A_76 = scf.for %scan3A_87 = %scan3A_72 to %scan3A_74 step %scan3A_75 iter_args(%scan3A_88 = %scan3A_71) -> (i32)  : i32 {
      %get3A_89 = arith.index_cast %scan3A_87 : i32 to index
      %get3A_90 = arith.constant 0 : index
      %get3A_91 = tpu.vector_load %arg8[%get3A_89, %get3A_90] {strides = array<i32>} : memref<64x16xf32, #tpu.memory_space<vmem>>, vector<1x16xf32>,
      %get3A_92 = vector.shape_cast %get3A_91 : vector<1x16xf32> to vector<16xf32>
      %mul3A_93 = arith.mulf %get3A_92, %get3A_37 : vector<16xf32>
      %swap3A_94 = arith.index_cast %scan3A_87 : i32 to index
      %swap3A_95 = arith.constant 0 : index
      %swap3A_96 = tpu.vector_load %arg7[%swap3A_94, %swap3A_95] {strides = array<i32>} : memref<64x16xf32, #tpu.memory_space<vmem>>, vector<1x16xf32>,
      %swap3A_97 = vector.shape_cast %swap3A_96 : vector<1x16xf32> to vector<16xf32>
      %swap3A_98 = vector.shape_cast %mul3A_93 : vector<16xf32> to vector<1x16xf32>
      tpu.vector_store %arg7[%swap3A_94, %swap3A_95], %swap3A_98 {strides = array<i32>} : memref<64x16xf32, #tpu.memory_space<vmem>>, vector<1x16xf32>,
      %scan3A_99 = arith.constant 0 : i32
      scf.yield %scan3A_99 : i32
    }
    %scan3A_77 = arith.constant 64 : i32
    %scan3A_78 = arith.constant 0 : i32
    %scan3A_79 = arith.constant 32 : i32
    %scan3A_80 = arith.addi %scan3A_78, %scan3A_79 : i32
    %scan3A_81 = arith.constant 1 : i32
    %scan3A_82 = scf.for %scan3A_87 = %scan3A_78 to %scan3A_80 step %scan3A_81 iter_args(%scan3A_88 = %broadcast_in_dim3A_70) -> (vector<16xf32>)  : i32 {
      %mul3A_89 = arith.constant 2 : i32
      %mul3A_90 = arith.muli %scan3A_87, %mul3A_89 : i32
      %get3A_91 = arith.index_cast %mul3A_90 : i32 to index
      %get3A_92 = arith.constant 0 : index
      %get3A_93 = tpu.vector_load %arg8[%get3A_91, %get3A_92] {strides = array<i32>} : memref<64x16xf32, #tpu.memory_space<vmem>>, vector<1x16xf32>,
      %get3A_94 = vector.shape_cast %get3A_93 : vector<1x16xf32> to vector<16xf32>
      %mul3A_95 = arith.mulf %get3A_94, %get3A_42 : vector<16xf32>
      %add3A_96 = arith.addf %mul3A_95, %get3A_47 : vector<16xf32>
      %add3A_97 = arith.constant 1 : i32
      %add3A_98 = arith.addi %mul3A_90, %add3A_97 : i32
      %get3A_99 = arith.index_cast %add3A_98 : i32 to index
      %get3A_100 = arith.constant 0 : index
      %get3A_101 = tpu.vector_load %arg8[%get3A_99, %get3A_100] {strides = array<i32>} : memref<64x16xf32, #tpu.memory_space<vmem>>, vector<1x16xf32>,
      %get3A_102 = vector.shape_cast %get3A_101 : vector<1x16xf32> to vector<16xf32>
      %mul3A_103 = arith.mulf %get3A_102, %get3A_42 : vector<16xf32>
      %add3A_104 = arith.addf %mul3A_103, %get3A_47 : vector<16xf32>
      %scan3A_105 = arith.constant 0 : i32
      %scan3A_106 = arith.constant 8 : i32
      %scan3A_107 = arith.addi %scan3A_105, %scan3A_106 : i32
      %scan3A_108 = arith.constant 1 : i32
      %scan3A_109:8 = scf.for %scan3A_125 = %scan3A_105 to %scan3A_107 step %scan3A_108 iter_args(%scan3A_126 = %broadcast_in_dim3A_70, %scan3A_127 = %broadcast_in_dim3A_70, %scan3A_128 = %broadcast_in_dim3A_70, %scan3A_129 = %broadcast_in_dim3A_70, %scan3A_130 = %broadcast_in_dim3A_70, %scan3A_131 = %broadcast_in_dim3A_70, %scan3A_132 = %broadcast_in_dim3A_70, %scan3A_133 = %broadcast_in_dim3A_70) -> (vector<16xf32>, vector<16xf32>, vector<16xf32>, vector<16xf32>, vector<16xf32>, vector<16xf32>, vector<16xf32>, vector<16xf32>)  : i32 {
        %mul3A_134 = arith.constant 8 : i32
        %mul3A_135 = arith.muli %scan3A_125, %mul3A_134 : i32
        %add3A_136 = arith.constant 0 : i32
        %add3A_137 = arith.addi %mul3A_135, %add3A_136 : i32
        %get3A_138 = arith.index_cast %add3A_137 : i32 to index
        %get3A_139 = arith.constant 0 : index
        %get3A_140 = tpu.vector_load %arg8[%get3A_138, %get3A_139] {strides = array<i32>} : memref<64x16xf32, #tpu.memory_space<vmem>>, vector<1x16xf32>,
        %get3A_141 = vector.shape_cast %get3A_140 : vector<1x16xf32> to vector<16xf32>
        %add3A_142 = arith.constant 0 : i32
        %add3A_143 = arith.addi %mul3A_135, %add3A_142 : i32
        %get3A_144 = arith.index_cast %add3A_143 : i32 to index
        %get3A_145 = arith.constant 0 : index
        %get3A_146 = tpu.vector_load %arg7[%get3A_144, %get3A_145] {strides = array<i32>} : memref<64x16xf32, #tpu.memory_space<vmem>>, vector<1x16xf32>,
        %get3A_147 = vector.shape_cast %get3A_146 : vector<1x16xf32> to vector<16xf32>
        %add3A_148 = arith.addf %get3A_147, %add3A_96 : vector<16xf32>
        %mul3A_149 = arith.constant 2.000000e-01 : f32
        %mul3A_150 = vector.broadcast %mul3A_149 : f32 to vector<16xf32>
        %mul3A_151 = arith.mulf %mul3A_150, %add3A_148 : vector<16xf32>
        %max3A = arith.maximumf %add3A_148, %mul3A_151 : vector<16xf32>
        %exp3A = math.exp %max3A : vector<16xf32>
        %add3A_152 = arith.addf %get3A_147, %add3A_104 : vector<16xf32>
        %mul3A_153 = arith.constant 2.000000e-01 : f32
        %mul3A_154 = vector.broadcast %mul3A_153 : f32 to vector<16xf32>
        %mul3A_155 = arith.mulf %mul3A_154, %add3A_152 : vector<16xf32>
        %max3A_156 = arith.maximumf %add3A_152, %mul3A_155 : vector<16xf32>
        %exp3A_157 = math.exp %max3A_156 : vector<16xf32>
        %add3A_158 = arith.addf %scan3A_126, %exp3A : vector<16xf32>
        %mul3A_159 = arith.mulf %exp3A, %get3A_141 : vector<16xf32>
        %add3A_160 = arith.addf %scan3A_127, %mul3A_159 : vector<16xf32>
        %add3A_161 = arith.addf %scan3A_128, %exp3A_157 : vector<16xf32>
        %mul3A_162 = arith.mulf %exp3A_157, %get3A_141 : vector<16xf32>
        %add3A_163 = arith.addf %scan3A_129, %mul3A_162 : vector<16xf32>
        %add3A_164 = arith.constant 1 : i32
        %add3A_165 = arith.addi %mul3A_135, %add3A_164 : i32
        %get3A_166 = arith.index_cast %add3A_165 : i32 to index
        %get3A_167 = arith.constant 0 : index
        %get3A_168 = tpu.vector_load %arg8[%get3A_166, %get3A_167] {strides = array<i32>} : memref<64x16xf32, #tpu.memory_space<vmem>>, vector<1x16xf32>,
        %get3A_169 = vector.shape_cast %get3A_168 : vector<1x16xf32> to vector<16xf32>
        %add3A_170 = arith.constant 1 : i32
        %add3A_171 = arith.addi %mul3A_135, %add3A_170 : i32
        %get3A_172 = arith.index_cast %add3A_171 : i32 to index
        %get3A_173 = arith.constant 0 : index
        %get3A_174 = tpu.vector_load %arg7[%get3A_172, %get3A_173] {strides = array<i32>} : memref<64x16xf32, #tpu.memory_space<vmem>>, vector<1x16xf32>,
        %get3A_175 = vector.shape_cast %get3A_174 : vector<1x16xf32> to vector<16xf32>
        %add3A_176 = arith.addf %get3A_175, %add3A_96 : vector<16xf32>
        %mul3A_177 = arith.constant 2.000000e-01 : f32
        %mul3A_178 = vector.broadcast %mul3A_177 : f32 to vector<16xf32>
        %mul3A_179 = arith.mulf %mul3A_178, %add3A_176 : vector<16xf32>
        %max3A_180 = arith.maximumf %add3A_176, %mul3A_179 : vector<16xf32>
        %exp3A_181 = math.exp %max3A_180 : vector<16xf32>
        %add3A_182 = arith.addf %get3A_175, %add3A_104 : vector<16xf32>
        %mul3A_183 = arith.constant 2.000000e-01 : f32
        %mul3A_184 = vector.broadcast %mul3A_183 : f32 to vector<16xf32>
        %mul3A_185 = arith.mulf %mul3A_184, %add3A_182 : vector<16xf32>
        %max3A_186 = arith.maximumf %add3A_182, %mul3A_185 : vector<16xf32>
        %exp3A_187 = math.exp %max3A_186 : vector<16xf32>
        %add3A_188 = arith.addf %scan3A_130, %exp3A_181 : vector<16xf32>
        %mul3A_189 = arith.mulf %exp3A_181, %get3A_169 : vector<16xf32>
        %add3A_190 = arith.addf %scan3A_131, %mul3A_189 : vector<16xf32>
        %add3A_191 = arith.addf %scan3A_132, %exp3A_187 : vector<16xf32>
        %mul3A_192 = arith.mulf %exp3A_187, %get3A_169 : vector<16xf32>
        %add3A_193 = arith.addf %scan3A_133, %mul3A_192 : vector<16xf32>
        %add3A_194 = arith.constant 2 : i32
        %add3A_195 = arith.addi %mul3A_135, %add3A_194 : i32
        %get3A_196 = arith.index_cast %add3A_195 : i32 to index
        %get3A_197 = arith.constant 0 : index
        %get3A_198 = tpu.vector_load %arg8[%get3A_196, %get3A_197] {strides = array<i32>} : memref<64x16xf32, #tpu.memory_space<vmem>>, vector<1x16xf32>,
        %get3A_199 = vector.shape_cast %get3A_198 : vector<1x16xf32> to vector<16xf32>
        %add3A_200 = arith.constant 2 : i32
        %add3A_201 = arith.addi %mul3A_135, %add3A_200 : i32
        %get3A_202 = arith.index_cast %add3A_201 : i32 to index
        %get3A_203 = arith.constant 0 : index
        %get3A_204 = tpu.vector_load %arg7[%get3A_202, %get3A_203] {strides = array<i32>} : memref<64x16xf32, #tpu.memory_space<vmem>>, vector<1x16xf32>,
        %get3A_205 = vector.shape_cast %get3A_204 : vector<1x16xf32> to vector<16xf32>
        %add3A_206 = arith.addf %get3A_205, %add3A_96 : vector<16xf32>
        %mul3A_207 = arith.constant 2.000000e-01 : f32
        %mul3A_208 = vector.broadcast %mul3A_207 : f32 to vector<16xf32>
        %mul3A_209 = arith.mulf %mul3A_208, %add3A_206 : vector<16xf32>
        %max3A_210 = arith.maximumf %add3A_206, %mul3A_209 : vector<16xf32>
        %exp3A_211 = math.exp %max3A_210 : vector<16xf32>
        %add3A_212 = arith.addf %get3A_205, %add3A_104 : vector<16xf32>
        %mul3A_213 = arith.constant 2.000000e-01 : f32
        %mul3A_214 = vector.broadcast %mul3A_213 : f32 to vector<16xf32>
        %mul3A_215 = arith.mulf %mul3A_214, %add3A_212 : vector<16xf32>
        %max3A_216 = arith.maximumf %add3A_212, %mul3A_215 : vector<16xf32>
        %exp3A_217 = math.exp %max3A_216 : vector<16xf32>
        %add3A_218 = arith.addf %add3A_158, %exp3A_211 : vector<16xf32>
        %mul3A_219 = arith.mulf %exp3A_211, %get3A_199 : vector<16xf32>
        %add3A_220 = arith.addf %add3A_160, %mul3A_219 : vector<16xf32>
        %add3A_221 = arith.addf %add3A_161, %exp3A_217 : vector<16xf32>
        %mul3A_222 = arith.mulf %exp3A_217, %get3A_199 : vector<16xf32>
        %add3A_223 = arith.addf %add3A_163, %mul3A_222 : vector<16xf32>
        %add3A_224 = arith.constant 3 : i32
        %add3A_225 = arith.addi %mul3A_135, %add3A_224 : i32
        %get3A_226 = arith.index_cast %add3A_225 : i32 to index
        %get3A_227 = arith.constant 0 : index
        %get3A_228 = tpu.vector_load %arg8[%get3A_226, %get3A_227] {strides = array<i32>} : memref<64x16xf32, #tpu.memory_space<vmem>>, vector<1x16xf32>,
        %get3A_229 = vector.shape_cast %get3A_228 : vector<1x16xf32> to vector<16xf32>
        %add3A_230 = arith.constant 3 : i32
        %add3A_231 = arith.addi %mul3A_135, %add3A_230 : i32
        %get3A_232 = arith.index_cast %add3A_231 : i32 to index
        %get3A_233 = arith.constant 0 : index
        %get3A_234 = tpu.vector_load %arg7[%get3A_232, %get3A_233] {strides = array<i32>} : memref<64x16xf32, #tpu.memory_space<vmem>>, vector<1x16xf32>,
        %get3A_235 = vector.shape_cast %get3A_234 : vector<1x16xf32> to vector<16xf32>
        %add3A_236 = arith.addf %get3A_235, %add3A_96 : vector<16xf32>
        %mul3A_237 = arith.constant 2.000000e-01 : f32
        %mul3A_238 = vector.broadcast %mul3A_237 : f32 to vector<16xf32>
        %mul3A_239 = arith.mulf %mul3A_238, %add3A_236 : vector<16xf32>
        %max3A_240 = arith.maximumf %add3A_236, %mul3A_239 : vector<16xf32>
        %exp3A_241 = math.exp %max3A_240 : vector<16xf32>
        %add3A_242 = arith.addf %get3A_235, %add3A_104 : vector<16xf32>
        %mul3A_243 = arith.constant 2.000000e-01 : f32
        %mul3A_244 = vector.broadcast %mul3A_243 : f32 to vector<16xf32>
        %mul3A_245 = arith.mulf %mul3A_244, %add3A_242 : vector<16xf32>
        %max3A_246 = arith.maximumf %add3A_242, %mul3A_245 : vector<16xf32>
        %exp3A_247 = math.exp %max3A_246 : vector<16xf32>
        %add3A_248 = arith.addf %add3A_188, %exp3A_241 : vector<16xf32>
        %mul3A_249 = arith.mulf %exp3A_241, %get3A_229 : vector<16xf32>
        %add3A_250 = arith.addf %add3A_190, %mul3A_249 : vector<16xf32>
        %add3A_251 = arith.addf %add3A_191, %exp3A_247 : vector<16xf32>
        %mul3A_252 = arith.mulf %exp3A_247, %get3A_229 : vector<16xf32>
        %add3A_253 = arith.addf %add3A_193, %mul3A_252 : vector<16xf32>
        %add3A_254 = arith.constant 4 : i32
        %add3A_255 = arith.addi %mul3A_135, %add3A_254 : i32
        %get3A_256 = arith.index_cast %add3A_255 : i32 to index
        %get3A_257 = arith.constant 0 : index
        %get3A_258 = tpu.vector_load %arg8[%get3A_256, %get3A_257] {strides = array<i32>} : memref<64x16xf32, #tpu.memory_space<vmem>>, vector<1x16xf32>,
        %get3A_259 = vector.shape_cast %get3A_258 : vector<1x16xf32> to vector<16xf32>
        %add3A_260 = arith.constant 4 : i32
        %add3A_261 = arith.addi %mul3A_135, %add3A_260 : i32
        %get3A_262 = arith.index_cast %add3A_261 : i32 to index
        %get3A_263 = arith.constant 0 : index
        %get3A_264 = tpu.vector_load %arg7[%get3A_262, %get3A_263] {strides = array<i32>} : memref<64x16xf32, #tpu.memory_space<vmem>>, vector<1x16xf32>,
        %get3A_265 = vector.shape_cast %get3A_264 : vector<1x16xf32> to vector<16xf32>
        %add3A_266 = arith.addf %get3A_265, %add3A_96 : vector<16xf32>
        %mul3A_267 = arith.constant 2.000000e-01 : f32
        %mul3A_268 = vector.broadcast %mul3A_267 : f32 to vector<16xf32>
        %mul3A_269 = arith.mulf %mul3A_268, %add3A_266 : vector<16xf32>
        %max3A_270 = arith.maximumf %add3A_266, %mul3A_269 : vector<16xf32>
        %exp3A_271 = math.exp %max3A_270 : vector<16xf32>
        %add3A_272 = arith.addf %get3A_265, %add3A_104 : vector<16xf32>
        %mul3A_273 = arith.constant 2.000000e-01 : f32
        %mul3A_274 = vector.broadcast %mul3A_273 : f32 to vector<16xf32>
        %mul3A_275 = arith.mulf %mul3A_274, %add3A_272 : vector<16xf32>
        %max3A_276 = arith.maximumf %add3A_272, %mul3A_275 : vector<16xf32>
        %exp3A_277 = math.exp %max3A_276 : vector<16xf32>
        %add3A_278 = arith.addf %add3A_218, %exp3A_271 : vector<16xf32>
        %mul3A_279 = arith.mulf %exp3A_271, %get3A_259 : vector<16xf32>
        %add3A_280 = arith.addf %add3A_220, %mul3A_279 : vector<16xf32>
        %add3A_281 = arith.addf %add3A_221, %exp3A_277 : vector<16xf32>
        %mul3A_282 = arith.mulf %exp3A_277, %get3A_259 : vector<16xf32>
        %add3A_283 = arith.addf %add3A_223, %mul3A_282 : vector<16xf32>
        %add3A_284 = arith.constant 5 : i32
        %add3A_285 = arith.addi %mul3A_135, %add3A_284 : i32
        %get3A_286 = arith.index_cast %add3A_285 : i32 to index
        %get3A_287 = arith.constant 0 : index
        %get3A_288 = tpu.vector_load %arg8[%get3A_286, %get3A_287] {strides = array<i32>} : memref<64x16xf32, #tpu.memory_space<vmem>>, vector<1x16xf32>,
        %get3A_289 = vector.shape_cast %get3A_288 : vector<1x16xf32> to vector<16xf32>
        %add3A_290 = arith.constant 5 : i32
        %add3A_291 = arith.addi %mul3A_135, %add3A_290 : i32
        %get3A_292 = arith.index_cast %add3A_291 : i32 to index
        %get3A_293 = arith.constant 0 : index
        %get3A_294 = tpu.vector_load %arg7[%get3A_292, %get3A_293] {strides = array<i32>} : memref<64x16xf32, #tpu.memory_space<vmem>>, vector<1x16xf32>,
        %get3A_295 = vector.shape_cast %get3A_294 : vector<1x16xf32> to vector<16xf32>
        %add3A_296 = arith.addf %get3A_295, %add3A_96 : vector<16xf32>
        %mul3A_297 = arith.constant 2.000000e-01 : f32
        %mul3A_298 = vector.broadcast %mul3A_297 : f32 to vector<16xf32>
        %mul3A_299 = arith.mulf %mul3A_298, %add3A_296 : vector<16xf32>
        %max3A_300 = arith.maximumf %add3A_296, %mul3A_299 : vector<16xf32>
        %exp3A_301 = math.exp %max3A_300 : vector<16xf32>
        %add3A_302 = arith.addf %get3A_295, %add3A_104 : vector<16xf32>
        %mul3A_303 = arith.constant 2.000000e-01 : f32
        %mul3A_304 = vector.broadcast %mul3A_303 : f32 to vector<16xf32>
        %mul3A_305 = arith.mulf %mul3A_304, %add3A_302 : vector<16xf32>
        %max3A_306 = arith.maximumf %add3A_302, %mul3A_305 : vector<16xf32>
        %exp3A_307 = math.exp %max3A_306 : vector<16xf32>
        %add3A_308 = arith.addf %add3A_248, %exp3A_301 : vector<16xf32>
        %mul3A_309 = arith.mulf %exp3A_301, %get3A_289 : vector<16xf32>
        %add3A_310 = arith.addf %add3A_250, %mul3A_309 : vector<16xf32>
        %add3A_311 = arith.addf %add3A_251, %exp3A_307 : vector<16xf32>
        %mul3A_312 = arith.mulf %exp3A_307, %get3A_289 : vector<16xf32>
        %add3A_313 = arith.addf %add3A_253, %mul3A_312 : vector<16xf32>
        %add3A_314 = arith.constant 6 : i32
        %add3A_315 = arith.addi %mul3A_135, %add3A_314 : i32
        %get3A_316 = arith.index_cast %add3A_315 : i32 to index
        %get3A_317 = arith.constant 0 : index
        %get3A_318 = tpu.vector_load %arg8[%get3A_316, %get3A_317] {strides = array<i32>} : memref<64x16xf32, #tpu.memory_space<vmem>>, vector<1x16xf32>,
        %get3A_319 = vector.shape_cast %get3A_318 : vector<1x16xf32> to vector<16xf32>
        %add3A_320 = arith.constant 6 : i32
        %add3A_321 = arith.addi %mul3A_135, %add3A_320 : i32
        %get3A_322 = arith.index_cast %add3A_321 : i32 to index
        %get3A_323 = arith.constant 0 : index
        %get3A_324 = tpu.vector_load %arg7[%get3A_322, %get3A_323] {strides = array<i32>} : memref<64x16xf32, #tpu.memory_space<vmem>>, vector<1x16xf32>,
        %get3A_325 = vector.shape_cast %get3A_324 : vector<1x16xf32> to vector<16xf32>
        %add3A_326 = arith.addf %get3A_325, %add3A_96 : vector<16xf32>
        %mul3A_327 = arith.constant 2.000000e-01 : f32
        %mul3A_328 = vector.broadcast %mul3A_327 : f32 to vector<16xf32>
        %mul3A_329 = arith.mulf %mul3A_328, %add3A_326 : vector<16xf32>
        %max3A_330 = arith.maximumf %add3A_326, %mul3A_329 : vector<16xf32>
        %exp3A_331 = math.exp %max3A_330 : vector<16xf32>
        %add3A_332 = arith.addf %get3A_325, %add3A_104 : vector<16xf32>
        %mul3A_333 = arith.constant 2.000000e-01 : f32
        %mul3A_334 = vector.broadcast %mul3A_333 : f32 to vector<16xf32>
        %mul3A_335 = arith.mulf %mul3A_334, %add3A_332 : vector<16xf32>
        %max3A_336 = arith.maximumf %add3A_332, %mul3A_335 : vector<16xf32>
        %exp3A_337 = math.exp %max3A_336 : vector<16xf32>
        %add3A_338 = arith.addf %add3A_278, %exp3A_331 : vector<16xf32>
        %mul3A_339 = arith.mulf %exp3A_331, %get3A_319 : vector<16xf32>
        %add3A_340 = arith.addf %add3A_280, %mul3A_339 : vector<16xf32>
        %add3A_341 = arith.addf %add3A_281, %exp3A_337 : vector<16xf32>
        %mul3A_342 = arith.mulf %exp3A_337, %get3A_319 : vector<16xf32>
        %add3A_343 = arith.addf %add3A_283, %mul3A_342 : vector<16xf32>
        %add3A_344 = arith.constant 7 : i32
        %add3A_345 = arith.addi %mul3A_135, %add3A_344 : i32
        %get3A_346 = arith.index_cast %add3A_345 : i32 to index
        %get3A_347 = arith.constant 0 : index
        %get3A_348 = tpu.vector_load %arg8[%get3A_346, %get3A_347] {strides = array<i32>} : memref<64x16xf32, #tpu.memory_space<vmem>>, vector<1x16xf32>,
        %get3A_349 = vector.shape_cast %get3A_348 : vector<1x16xf32> to vector<16xf32>
        %add3A_350 = arith.constant 7 : i32
        %add3A_351 = arith.addi %mul3A_135, %add3A_350 : i32
        %get3A_352 = arith.index_cast %add3A_351 : i32 to index
        %get3A_353 = arith.constant 0 : index
        %get3A_354 = tpu.vector_load %arg7[%get3A_352, %get3A_353] {strides = array<i32>} : memref<64x16xf32, #tpu.memory_space<vmem>>, vector<1x16xf32>,
        %get3A_355 = vector.shape_cast %get3A_354 : vector<1x16xf32> to vector<16xf32>
        %add3A_356 = arith.addf %get3A_355, %add3A_96 : vector<16xf32>
        %mul3A_357 = arith.constant 2.000000e-01 : f32
        %mul3A_358 = vector.broadcast %mul3A_357 : f32 to vector<16xf32>
        %mul3A_359 = arith.mulf %mul3A_358, %add3A_356 : vector<16xf32>
        %max3A_360 = arith.maximumf %add3A_356, %mul3A_359 : vector<16xf32>
        %exp3A_361 = math.exp %max3A_360 : vector<16xf32>
        %add3A_362 = arith.addf %get3A_355, %add3A_104 : vector<16xf32>
        %mul3A_363 = arith.constant 2.000000e-01 : f32
        %mul3A_364 = vector.broadcast %mul3A_363 : f32 to vector<16xf32>
        %mul3A_365 = arith.mulf %mul3A_364, %add3A_362 : vector<16xf32>
        %max3A_366 = arith.maximumf %add3A_362, %mul3A_365 : vector<16xf32>
        %exp3A_367 = math.exp %max3A_366 : vector<16xf32>
        %add3A_368 = arith.addf %add3A_308, %exp3A_361 : vector<16xf32>
        %mul3A_369 = arith.mulf %exp3A_361, %get3A_349 : vector<16xf32>
        %add3A_370 = arith.addf %add3A_310, %mul3A_369 : vector<16xf32>
        %add3A_371 = arith.addf %add3A_311, %exp3A_367 : vector<16xf32>
        %mul3A_372 = arith.mulf %exp3A_367, %get3A_349 : vector<16xf32>
        %add3A_373 = arith.addf %add3A_313, %mul3A_372 : vector<16xf32>
        scf.yield %add3A_338, %add3A_340, %add3A_341, %add3A_343, %add3A_368, %add3A_370, %add3A_371, %add3A_373 : vector<16xf32>, vector<16xf32>, vector<16xf32>, vector<16xf32>, vector<16xf32>, vector<16xf32>, vector<16xf32>, vector<16xf32>
      }
      %scan3A_110 = arith.constant 8 : i32
      %add3A_111 = arith.addf %scan3A_109#0, %scan3A_109#4 : vector<16xf32>
      %add3A_112 = arith.addf %scan3A_109#1, %scan3A_109#5 : vector<16xf32>
      %add3A_113 = arith.addf %scan3A_109#2, %scan3A_109#6 : vector<16xf32>
      %add3A_114 = arith.addf %scan3A_109#3, %scan3A_109#7 : vector<16xf32>
      %add3A_115 = arith.constant 1.000000e-16 : f32
      %add3A_116 = vector.broadcast %add3A_115 : f32 to vector<16xf32>
      %add3A_117 = arith.addf %add3A_111, %add3A_116 : vector<16xf32>
      %div3A_118 = arith.divf %add3A_112, %add3A_117 : vector<16xf32>
      %add3A_119 = arith.constant 1.000000e-16 : f32
      %add3A_120 = vector.broadcast %add3A_119 : f32 to vector<16xf32>
      %add3A_121 = arith.addf %add3A_113, %add3A_120 : vector<16xf32>
      %div3A_122 = arith.divf %add3A_114, %add3A_121 : vector<16xf32>
      %add3A_123 = arith.addf %div3A_118, %div3A_122 : vector<16xf32>
      %add3A_124 = arith.addf %scan3A_88, %add3A_123 : vector<16xf32>
      scf.yield %add3A_124 : vector<16xf32>
    }
    %scan3A_83 = arith.constant 32 : i32
    %swap3A = arith.constant 0 : index
    %swap3A_84 = tpu.vector_load %arg9[%swap3A] {strides = array<i32>} : memref<16xf32, #tpu.memory_space<vmem>>, vector<16xf32>,
    %swap3A_85 = vector.shape_cast %swap3A_84 : vector<16xf32> to vector<16xf32>
    %swap3A_86 = vector.shape_cast %scan3A_82 : vector<16xf32> to vector<16xf32>
    tpu.vector_store %arg9[%swap3A], %swap3A_86 {strides = array<i32>} : memref<16xf32, #tpu.memory_space<vmem>>, vector<16xf32>,
    "tpu.region"() ({
      %run_scoped3A = tpu.sem_alloc : memref<!tpu.dma_semaphore, #tpu.memory_space<semaphore_mem>>
      %dma_start3A_87 = arith.constant 0 : i32
      %dma_start3A_88 = tpu.memref_slice %arg4[%add3A, %dma_start3A_87] : memref<32x16xf32, #tpu.memory_space<hbm>> -> memref<1x16xf32, #tpu.memory_space<hbm>>
      %dma_start3A_89 = tpu.memref_squeeze %dma_start3A_88 : memref<1x16xf32, #tpu.memory_space<hbm>> -> memref<16xf32, #tpu.memory_space<hbm>>
      %dma_start3A_90 = arith.constant 0 : i32
      %dma_start3A_91 = tpu.memref_slice %arg4[%add3A, %dma_start3A_90] : memref<32x16xf32, #tpu.memory_space<hbm>> -> memref<1x16xf32, #tpu.memory_space<hbm>>
      %dma_start3A_92 = tpu.memref_squeeze %dma_start3A_91 : memref<1x16xf32, #tpu.memory_space<hbm>> -> memref<16xf32, #tpu.memory_space<hbm>>
      tpu.enqueue_dma source(%arg9 : memref<16xf32, #tpu.memory_space<vmem>>) target(%dma_start3A_92 : memref<16xf32, #tpu.memory_space<hbm>>) target_semaphore(%run_scoped3A : memref<!tpu.dma_semaphore, #tpu.memory_space<semaphore_mem>>)
      %dma_wait3A_93 = arith.constant 0 : i32
      %dma_wait3A_94 = tpu.memref_slice %arg4[%add3A, %dma_wait3A_93] : memref<32x16xf32, #tpu.memory_space<hbm>> -> memref<1x16xf32, #tpu.memory_space<hbm>>
      %dma_wait3A_95 = tpu.memref_squeeze %dma_wait3A_94 : memref<1x16xf32, #tpu.memory_space<hbm>> -> memref<16xf32, #tpu.memory_space<hbm>>
      %dma_wait3A_96 = arith.constant 0 : i32
      %dma_wait3A_97 = tpu.memref_slice %arg4[%add3A, %dma_wait3A_96] : memref<32x16xf32, #tpu.memory_space<hbm>> -> memref<1x16xf32, #tpu.memory_space<hbm>>
      %dma_wait3A_98 = tpu.memref_squeeze %dma_wait3A_97 : memref<1x16xf32, #tpu.memory_space<hbm>> -> memref<16xf32, #tpu.memory_space<hbm>>
      tpu.wait_dma2 semaphore(%run_scoped3A : memref<!tpu.dma_semaphore, #tpu.memory_space<semaphore_mem>>) src(%arg9 : memref<16xf32, #tpu.memory_space<vmem>>) dst(%dma_wait3A_98 : memref<16xf32, #tpu.memory_space<hbm>>)
      tpu.yield
    }) : () -> ()
    return
  }
}

module attributes {stable_mosaic.version = 14 : i64} {
  func.func @_tc_body(%arg0: i32, %arg1: i32, %arg2: memref<1x8x64xf32, #tpu.memory_space<vmem>>, %arg3: memref<1x64x64xf32, #tpu.memory_space<vmem>>, %arg4: memref<1x1x64xf32, #tpu.memory_space<vmem>>) attributes {dimension_semantics = [#tpu.dimension_semantics<arbitrary>, #tpu.dimension_semantics<arbitrary>], iteration_bounds = array<i64: 2, 4>, scalar_prefetch = 0 : i64, scratch_operands = 0 : i64, tpu.core_type = #tpu.core_type<tc>, window_params = [{transform_indices = @transform_0, window_bounds = array<i64: 1, 8, 64>}, {transform_indices = @transform_1, window_bounds = array<i64: 1, 64, 64>}, {transform_indices = @transform_2, window_bounds = array<i64: 1, 1, 64>}]} {
    %get3A = arith.constant 0 : index
    %get3A_0 = arith.constant 0 : index
    %get3A_1 = arith.constant 0 : index
    %get3A_2 = vector.load %arg2[%get3A, %get3A_0, %get3A_1] : memref<1x8x64xf32, #tpu.memory_space<vmem>>, vector<1x8x64xf32>
    %get3A_3 = vector.shape_cast %get3A_2 : vector<1x8x64xf32> to vector<8x64xf32>
    %get3A_4 = arith.constant 0 : index
    %get3A_5 = arith.constant 0 : index
    %get3A_6 = arith.constant 0 : index
    %get3A_7 = vector.load %arg3[%get3A_4, %get3A_5, %get3A_6] : memref<1x64x64xf32, #tpu.memory_space<vmem>>, vector<1x64x64xf32>
    %get3A_8 = vector.shape_cast %get3A_7 : vector<1x64x64xf32> to vector<64x64xf32>
    %slice3A = vector.extract_strided_slice %get3A_3 {offsets = [0, 0], sizes = [1, 64], strides = [1, 1]} : vector<8x64xf32> to vector<1x64xf32>
    %slice3A_9 = vector.extract_strided_slice %get3A_3 {offsets = [1, 0], sizes = [1, 64], strides = [1, 1]} : vector<8x64xf32> to vector<1x64xf32>
    %mul3A = vector.broadcast %slice3A : vector<1x64xf32> to vector<64x64xf32>
    %mul3A_10 = arith.mulf %get3A_8, %mul3A : vector<64x64xf32>
    %mul3A_11 = vector.broadcast %slice3A_9 : vector<1x64xf32> to vector<64x64xf32>
    %mul3A_12 = arith.mulf %get3A_8, %mul3A_11 : vector<64x64xf32>
    %add3A = arith.constant 0.000000e+00 : f32
    %add3A_13 = vector.broadcast %add3A : f32 to vector<64x64xf32>
    %add3A_14 = arith.addf %mul3A_12, %add3A_13 : vector<64x64xf32>
    %broadcast_in_dim3A = vector.shape_cast %mul3A_10 : vector<64x64xf32> to vector<64x64x1xf32>
    %broadcast_in_dim3A_15 = vector.shape_cast %add3A_14 : vector<64x64xf32> to vector<64x1x64xf32>
    %add3A_16 = vector.broadcast %broadcast_in_dim3A : vector<64x64x1xf32> to vector<64x64x64xf32>
    %add3A_17 = vector.broadcast %broadcast_in_dim3A_15 : vector<64x1x64xf32> to vector<64x64x64xf32>
    %add3A_18 = arith.addf %add3A_16, %add3A_17 : vector<64x64x64xf32>
    %mul3A_19 = arith.constant 2.000000e-01 : f32
    %mul3A_20 = vector.broadcast %mul3A_19 : f32 to vector<64x64x64xf32>
    %mul3A_21 = arith.mulf %mul3A_20, %add3A_18 : vector<64x64x64xf32>
    %max3A = arith.maximumf %add3A_18, %mul3A_21 : vector<64x64x64xf32>
    %exp3A = math.exp %max3A : vector<64x64x64xf32>
    %reduce_sum3A = arith.constant dense<0.000000e+00> : vector<64x64xf32>
    %reduce_sum3A_22 = vector.multi_reduction <add>, %exp3A, %reduce_sum3A [1] : vector<64x64x64xf32> to vector<64x64xf32>
    %broadcast_in_dim3A_23 = vector.shape_cast %get3A_8 : vector<64x64xf32> to vector<64x64x1xf32>
    %mul3A_24 = vector.broadcast %broadcast_in_dim3A_23 : vector<64x64x1xf32> to vector<64x64x64xf32>
    %mul3A_25 = arith.mulf %exp3A, %mul3A_24 : vector<64x64x64xf32>
    %reduce_sum3A_26 = arith.constant dense<0.000000e+00> : vector<64x64xf32>
    %reduce_sum3A_27 = vector.multi_reduction <add>, %mul3A_25, %reduce_sum3A_26 [1] : vector<64x64x64xf32> to vector<64x64xf32>
    %add3A_28 = arith.constant 1.000000e-16 : f32
    %add3A_29 = vector.broadcast %add3A_28 : f32 to vector<64x64xf32>
    %add3A_30 = arith.addf %reduce_sum3A_22, %add3A_29 : vector<64x64xf32>
    %div3A = arith.divf %reduce_sum3A_27, %add3A_30 : vector<64x64xf32>
    %slice3A_31 = vector.extract_strided_slice %get3A_3 {offsets = [2, 0], sizes = [1, 64], strides = [1, 1]} : vector<8x64xf32> to vector<1x64xf32>
    %slice3A_32 = vector.extract_strided_slice %get3A_3 {offsets = [3, 0], sizes = [1, 64], strides = [1, 1]} : vector<8x64xf32> to vector<1x64xf32>
    %slice3A_33 = vector.extract_strided_slice %get3A_3 {offsets = [4, 0], sizes = [1, 64], strides = [1, 1]} : vector<8x64xf32> to vector<1x64xf32>
    %mul3A_34 = vector.broadcast %slice3A_31 : vector<1x64xf32> to vector<64x64xf32>
    %mul3A_35 = arith.mulf %div3A, %mul3A_34 : vector<64x64xf32>
    %mul3A_36 = vector.broadcast %slice3A_32 : vector<1x64xf32> to vector<64x64xf32>
    %mul3A_37 = arith.mulf %div3A, %mul3A_36 : vector<64x64xf32>
    %add3A_38 = vector.broadcast %slice3A_33 : vector<1x64xf32> to vector<64x64xf32>
    %add3A_39 = arith.addf %mul3A_37, %add3A_38 : vector<64x64xf32>
    %broadcast_in_dim3A_40 = vector.shape_cast %mul3A_35 : vector<64x64xf32> to vector<64x64x1xf32>
    %broadcast_in_dim3A_41 = vector.shape_cast %add3A_39 : vector<64x64xf32> to vector<64x1x64xf32>
    %add3A_42 = vector.broadcast %broadcast_in_dim3A_40 : vector<64x64x1xf32> to vector<64x64x64xf32>
    %add3A_43 = vector.broadcast %broadcast_in_dim3A_41 : vector<64x1x64xf32> to vector<64x64x64xf32>
    %add3A_44 = arith.addf %add3A_42, %add3A_43 : vector<64x64x64xf32>
    %mul3A_45 = arith.constant 2.000000e-01 : f32
    %mul3A_46 = vector.broadcast %mul3A_45 : f32 to vector<64x64x64xf32>
    %mul3A_47 = arith.mulf %mul3A_46, %add3A_44 : vector<64x64x64xf32>
    %max3A_48 = arith.maximumf %add3A_44, %mul3A_47 : vector<64x64x64xf32>
    %exp3A_49 = math.exp %max3A_48 : vector<64x64x64xf32>
    %reduce_sum3A_50 = arith.constant dense<0.000000e+00> : vector<64x64xf32>
    %reduce_sum3A_51 = vector.multi_reduction <add>, %exp3A_49, %reduce_sum3A_50 [1] : vector<64x64x64xf32> to vector<64x64xf32>
    %broadcast_in_dim3A_52 = vector.shape_cast %div3A : vector<64x64xf32> to vector<64x64x1xf32>
    %mul3A_53 = vector.broadcast %broadcast_in_dim3A_52 : vector<64x64x1xf32> to vector<64x64x64xf32>
    %mul3A_54 = arith.mulf %exp3A_49, %mul3A_53 : vector<64x64x64xf32>
    %reduce_sum3A_55 = arith.constant dense<0.000000e+00> : vector<64x64xf32>
    %reduce_sum3A_56 = vector.multi_reduction <add>, %mul3A_54, %reduce_sum3A_55 [1] : vector<64x64x64xf32> to vector<64x64xf32>
    %add3A_57 = arith.constant 1.000000e-16 : f32
    %add3A_58 = vector.broadcast %add3A_57 : f32 to vector<64x64xf32>
    %add3A_59 = arith.addf %reduce_sum3A_51, %add3A_58 : vector<64x64xf32>
    %div3A_60 = arith.divf %reduce_sum3A_56, %add3A_59 : vector<64x64xf32>
    %reduce_sum3A_61 = arith.constant dense<0.000000e+00> : vector<64xf32>
    %reduce_sum3A_62 = vector.multi_reduction <add>, %div3A_60, %reduce_sum3A_61 [1] : vector<64x64xf32> to vector<64xf32>
    %swap3A = arith.constant 0 : index
    %swap3A_63 = arith.constant 0 : index
    %swap3A_64 = arith.constant 0 : index
    %swap3A_65 = vector.load %arg4[%swap3A, %swap3A_63, %swap3A_64] : memref<1x1x64xf32, #tpu.memory_space<vmem>>, vector<1x1x64xf32>
    %swap3A_66 = vector.shape_cast %swap3A_65 : vector<1x1x64xf32> to vector<64xf32>
    %swap3A_67 = vector.shape_cast %reduce_sum3A_62 : vector<64xf32> to vector<1x1x64xf32>
    tpu.vector_store %arg4[%swap3A, %swap3A_63, %swap3A_64], %swap3A_67 {strides = array<i32>} : memref<1x1x64xf32, #tpu.memory_space<vmem>>, vector<1x1x64xf32>,
    return
  }
  func.func @transform_0(%arg0: i32, %arg1: i32) -> (i32, i32, i32) {
    %c0_i32 = arith.constant 0 : i32
    %c0_i32_0 = arith.constant 0 : i32
    %c0_i32_1 = arith.constant 0 : i32
    return %arg0, %c0_i32, %c0_i32_0 : i32, i32, i32
  }
  func.func @transform_1(%arg0: i32, %arg1: i32) -> (i32, i32, i32) {
    %c0_i32 = arith.constant 0 : i32
    %c0_i32_0 = arith.constant 0 : i32
    return %arg0, %arg1, %c0_i32 : i32, i32, i32
  }
  func.func @transform_2(%arg0: i32, %arg1: i32) -> (i32, i32, i32) {
    %mul3A = arith.constant 4 : i32
    %mul3A_0 = arith.muli %arg0, %mul3A : i32
    %add3A = arith.addi %mul3A_0, %arg1 : i32
    %c0_i32 = arith.constant 0 : i32
    %c0_i32_1 = arith.constant 0 : i32
    %c0_i32_2 = arith.constant 0 : i32
    return %add3A, %c0_i32, %c0_i32_1 : i32, i32, i32
  }
}

</mosaic_0001>

<sc_bundles>
// kernel: kernel.4.cloned.1.call-start
scs
__scs_entry_jumppad:
0x0: {  	(pc) =	sbr.rel $0x88, $3  }
0x1: {  	(tag) =	ssettag $0x0;
	lr =	simm.s32 $0x1  }
0x2: {  	[smem:$0x3F96] =	sst lr;
	_ =	strace $0xD0000000  }
0x3: {  	_ = 	snop  }
0x4: {  	_ = 	snop  }
0x5: {  	_ = 	snop  }
0x6: {  	_ = 	snop  }
0x7: {  	_ = 	snop  }
__scs_overlays_trampoline_lowered:
0x8: {  	[smem:$0x3FA5] =	sst s0  }
0x9: {  	[smem:$0x3FA6] =	sst s1  }
0xa: {  	[smem:$0x3FA7] =	sst s2  }
0xb: {  	[smem:$0x3FA8] =	sst s3  }
0xc: {  	[smem:$0x3FA9] =	sst s4  }
0xd: {  	[smem:$0x3FAA] =	sst s5  }
0xe: {  	[smem:$0x3FAB] =	sst s6  }
0xf: {  	[smem:$0x3FAC] =	sst s7  }
0x10: {  	[smem:$0x3FAD] =	sst s8  }
0x11: {  	[smem:$0x3FAE] =	sst s9;
	s0 =	simm.s32 @!p0 $0x0  }
0x12: {  	s1 =	sld [smem:$0x3F94];
	s0 =	simm.s32 @p0 $0x1  }
0x13: {  	[smem:$0x3FAF] =	sst s0;
	s0 =	simm.s32 @!p1 $0x0  }
0x14: {  	s2 =	sld [smem:$0x3F93];
	s0 =	simm.s32 @p1 $0x1  }
0x15: {  	[smem:$0x3FB0] =	sst s0;
	s0 =	simm.s32 @!p2 $0x0  }
0x16: {  	s3 =	sld [smem:$0x3FDB];
	s0 =	simm.s32 @p2 $0x1  }
0x17: {  	s4 =	simm.s32 $0x1BF5;
	[smem:$0x3FB2] =	sst s0  }
0x18: {  	s0 =	sld [smem:$0x3F95];
	_ =	swait.ge [sflag:s4], $0x0  }
0x19: {  	s7 =	sld [smem:$0x3F96]  }
0x1a: {  	s8 =	sadd.s32 $0xFFFFE003, lr  }
0x1b: {  	s9 =	sadd.s32 $0xFFFFFEF7, lr;
	s5 =	simm.s32 $0xFFFFFFFF;
	p2 =	slt.u32 s8, $0xFFFFF086  }
0x1c: {  	p1 =	slt.u32 s9, $0xF7A;
	s5 =	simm.s32 @!p2 $0x0  }
0x1d: {  	s5 =	simm.s32 @p1 $0x1;
	p0 =	seq.s32 s7, s2  }
0x1e: {  	s7 =	smul.u32 @!p0 $0xF7A, s2;
	p2 =	seq.s32 @!p0 s5, $0x0  }
0x1f: {  	s9 =	smul.u32 $0xF7A, s1;
	s8 =	simm.s32 @!p0 $0x1BF5;
	p2 =	por !p2, p0  }
0x20: {  	[sflag:s8] =	ssyncset.s32 @!p0 $0xFFFFF086;
	s6 =	sadd.s32 @!p0 s3, s7;
	s7 =	simm.s32 @!p0 $0x108  }
0x21: {  	s3 =	sadd.s32 s3, s9;
	s6 =	sadd.s32 @!p0 $0x88, s6;
	s7 =	simm.s32 @p2 $0x1082  }
0x22: {  	[simem:s7], [sflag:s8] =	dma.local @!p0 [hbm:s6], $0xF7A  }
0x23: {  	s9 =	sor.u32 $0xD0000000, s2;
	s6 =	simm.s32 $0x108;
	_ =	swait.ge @!p0 [sflag:s8], $0x0  }
0x24: {  	s3 =	sadd.s32 $0x88, s3;
	s6 =	simm.s32 @!p1 $0x1082;
	[sflag:s4] =	ssyncset.s32 $0xFFFFF086  }
0x25: {  	[simem:s6], [sflag:s4] =	dma.local [hbm:s3], $0xF7A  }
0x26: {  	[smem:$0x3F96] =	sst s1;
	(tag) =	ssettag s2;
	_ =	strace s9  }
0x27: {  	s1 =	sld [smem:$0x3FA6]  }
0x28: {  	s2 =	sld [smem:$0x3FA7]  }
0x29: {  	s4 =	sld [smem:$0x3FA9]  }
0x2a: {  	p0 =	seq.s32 s5, $0x0;
	s5 =	sld [smem:$0x3FAA]  }
0x2b: {  	s6 =	sld [smem:$0x3FAB]  }
0x2c: {  	s7 =	sld [smem:$0x3FAC]  }
0x2d: {  	s3 =	simm.s32 $0x108;
	s8 =	sld [smem:$0x3FAD]  }
0x2e: {  	s3 =	simm.s32 @!p0 $0x1082;
	s9 =	sld [smem:$0x3FAE]  }
0x2f: {  	lr =	sadd.s32 s0, s3;
	s0 =	sld [smem:$0x3FA5]  }
0x30: {  	s3 =	sld [smem:$0x3FA8]  }
0x31: {  	[smem:$0x3FB1] =	sst s10  }
0x32: {  	s10 =	sld [smem:$0x3FAF];
	_ =	sdelay $0x3  }
0x33: {  	p0 =	seq.s32 s10, $0x1;
	s10 =	sld [smem:$0x3FB1];
	_ =	sdelay $0x3  }
0x34: {  	[smem:$0x3FB1] =	sst s10  }
0x35: {  	s10 =	sld [smem:$0x3FB0];
	_ =	sdelay $0x3  }
0x36: {  	p1 =	seq.s32 s10, $0x1;
	s10 =	sld [smem:$0x3FB1];
	_ =	sdelay $0x3  }
0x37: {  	[smem:$0x3FB1] =	sst s10  }
0x38: {  	s10 =	sld [smem:$0x3FB2]  }
0x39: {  	_ = 	snop;
	(pc) =	sbr.ind lr, $3  }
0x3a: {  	_ = 	snop  }
0x3b: {  	_ = 	snop  }
0x3c: {  	p2 =	seq.s32 s10, $0x1;
	s10 =	sld [smem:$0x3FB1]  }
0x3d: {  	_ =	shalt  }
0x3e: {  	_ =	shalt  }
0x3f: {  	_ =	shalt  }
0x40: {  	_ =	shalt  }
0x41: {  	_ =	shalt  }
0x42: {  	_ =	shalt  }
0x43: {  	_ =	shalt  }
0x44: {  	_ =	shalt  }
0x45: {  	_ =	shalt  }
0x46: {  	_ =	shalt  }
0x47: {  	_ =	shalt  }
0x48: {  	_ =	shalt  }
0x49: {  	_ =	shalt  }
0x4a: {  	_ =	shalt  }
0x4b: {  	_ =	shalt  }
0x4c: {  	_ =	shalt  }
0x4d: {  	_ =	shalt  }
0x4e: {  	_ =	shalt  }
0x4f: {  	_ =	shalt  }
0x50: {  	_ =	shalt  }
0x51: {  	_ =	shalt  }
0x52: {  	_ =	shalt  }
0x53: {  	_ =	shalt  }
0x54: {  	_ =	shalt  }
0x55: {  	_ =	shalt  }
0x56: {  	_ =	shalt  }
0x57: {  	_ =	shalt  }
0x58: {  	_ =	shalt  }
0x59: {  	_ =	shalt  }
0x5a: {  	_ =	shalt  }
0x5b: {  	_ =	shalt  }
0x5c: {  	_ =	shalt  }
0x5d: {  	_ =	shalt  }
0x5e: {  	_ =	shalt  }
0x5f: {  	_ =	shalt  }
0x60: {  	_ =	shalt  }
0x61: {  	_ =	shalt  }
0x62: {  	_ =	shalt  }
0x63: {  	_ =	shalt  }
0x64: {  	_ =	shalt  }
0x65: {  	_ =	shalt  }
0x66: {  	_ =	shalt  }
0x67: {  	_ =	shalt  }
0x68: {  	_ =	shalt  }
0x69: {  	_ =	shalt  }
0x6a: {  	_ =	shalt  }
0x6b: {  	_ =	shalt  }
0x6c: {  	_ =	shalt  }
0x6d: {  	_ =	shalt  }
0x6e: {  	_ =	shalt  }
0x6f: {  	_ =	shalt  }
0x70: {  	_ =	shalt  }
0x71: {  	_ =	shalt  }
0x72: {  	_ =	shalt  }
0x73: {  	_ =	shalt  }
0x74: {  	_ =	shalt  }
0x75: {  	_ =	shalt  }
0x76: {  	_ =	shalt  }
0x77: {  	_ =	shalt  }
0x78: {  	_ =	shalt  }
0x79: {  	_ =	shalt  }
0x7a: {  	_ =	shalt  }
0x7b: {  	_ =	shalt  }
0x7c: {  	_ =	shalt  }
0x7d: {  	_ =	shalt  }
0x7e: {  	_ =	shalt  }
0x7f: {  	_ =	shalt  }
0x80: {  	_ =	shalt  }
0x81: {  	_ =	shalt  }
0x82: {  	_ =	shalt  }
0x83: {  	_ =	shalt  }
0x84: {  	_ =	shalt  }
0x85: {  	_ =	shalt  }
0x86: {  	_ =	shalt  }
0x87: {  	_ =	shalt  }
.Lfunc_end0:
.L_simem_size_0:
called_computation_lowered:
.L_overlay_start_0:
0x88: {  	s2 =	sld [smem:$0x3FD9]  }
0x89: {  	s3 =	sld [smem:$0x3FFE];
	_ =	sdelay $0x1  }
0x8a: {  	s1 =	srdreg.scid  }
0x8b: {  	s0 =	sand.u32 $0x1, s1  }
0x8c: {  	s17 =	sshll.u32 s0, $0xA;
	s2 =	sadd.s32 s3, s2  }
0x8d: {  	s2 =	sadd.s32 s2, s17  }
0x8e: {  	[smem:$0x3FBD] =	sst s2  }
0x8f: {  	_ = 	snop  }
0x90: {  	s2 =	sld [smem:$0x3FD0];
	(tm) =	ssettm $0x1  }
0x91: {  	s18 =	sld [smem:$0x3FFB];
	_ =	sdelay $0x3  }
0x92: {  	_ =	strace s18  }
0x93: {  	s3 =	sld [smem:$0x3FFC];
	_ =	sdelay $0x3  }
0x94: {  	_ =	strace s3  }
0x95: {  	s3 =	sld [smem:$0x3FFD];
	_ =	sdelay $0x3  }
0x96: {  	_ =	strace s3  }
0x97: {  	_ =	strace $0x8FFFFFFF  }
0x98: {  	s19 =	sld [smem:$0x3FDB];
	_ =	sdelay $0x1  }
0x99: {  	s4 =	simm.s32 $_scs_section_size  }
0x9a: {  	s5 =	simm.s32 $_size__tile_overlayer_lowered;
	s6 =	simm.s32 $_tile_overlayer_lowered  }
0x9b: {  	s22 =	simm.s32 $0x1BFF;
	s21 =	sshll.u32 s6, $0x1;
	s3 =	sadd.s32 s4, s19  }
0x9c: {  	s7 =	simm.s32 $0x0;
	s20 =	sshll.u32 s5, $0x1;
	s5 =	sadd.s32 s21, s3  }
0x9d: {  	[timem:s7], [sflag:s22] =	dma.local [hbm:s5], s20  }
0x9e: {  	_ =	swait.ge [sflag:s22], s20  }
0x9f: {  	s4 =	ssub.s32 $0x0, s20;
	[sflag:s22] =	ssyncset.done $0x0  }
0xa0: {  	[sflag:s22] =	ssyncadd.s32 s4;
	_ =	sdelay $0x1  }
0xa1: {  	s23 =	simm.s32 $0x1B8B  }
0xa2: {  	_ =	swait.ge [sflag:s23], $0x1  }
0xa3: {  	[sflag:s23] =	ssyncset.done $0x0  }
0xa4: {  	s25 =	simm.s32 $0x1B8E;
	s24 =	sld [smem:$0x3FFE];
	[sflag:s23] =	ssyncadd.s32 $0xFFFFFFFF  }
0xa5: {  	s26 =	simm.s32 $execute0_lowered;
	[smem:$0x3FD2] =	sst s25  }
0xa6: {  	s5 =	sshll.u32 s26, $0x1;
	_ =	strace $0x80000046;
	[dreg:$0x1] =	wrdreg $0xFFFFFFFF  }
0xa7: {  	s28 =	simm.s32 $_size_execute0_lowered;
	s3 =	sadd.s32 s3, s5;
	[dreg:$0x0] =	wrdreg $0x0  }
0xa8: {  	s5 =	sshll.u32 s28, $0x1;
	[dreg:$0x2] =	wrdreg s3  }
0xa9: {  	[dreg:$0x3] =	wrdreg s5  }
0xaa: {  	[dreg:$0x4] =	wrdreg $0xC0  }
0xab: {  	_ =	task [dreg:s7], $0x5FFFF  }
0xac: {  	[dreg:$0x1] =	wrdreg $0xFFFFFFFF  }
0xad: {  	[dreg:$0x0] =	wrdreg $0x60  }
0xae: {  	[dreg:$0x2] =	wrdreg s24  }
0xaf: {  	[dreg:$0x3] =	wrdreg s2  }
0xb0: {  	[dreg:$0x4] =	wrdreg $0x9  }
0xb1: {  	_ =	task.clear_ibuf [dreg:s7], $0x5FFFF;
	_ =	strace $0x90000046  }
0xb2: {  	s29 =	simm.s32 $0x9;
	_ =	strace $0x80000048  }
0xb3: {  	_ =	swait.ge [sflag:s29], $0x1  }
0xb4: {  	[sflag:s29] =	ssyncadd.s32 $0xFFFFFFFF  }
0xb5: {  	_ =	strace $0x90000048  }
0xb6: {  	_ =	sfence  }
0xb7: {  	s30 =	sld [smem:$0x0];
	_ =	sdelay $0x2  }
0xb8: {  	s31 =	sshll.u32 s1, $0xD;
	s1 =	sshrl.u32 s1, $0x2  }
0xb9: {  	s3 =	sand.u32 $0x4000, s31;
	s1 =	sadd.s32 s1, s30  }
0xba: {  	s0 =	sor.u32 s3, s0;
	s1 =	sshll.u32 s1, $0x11  }
0xbb: {  	s0 =	sor.u32 s1, s0  }
0xbc: {  	s0 =	sadd.s32 $0x8F2B, s0  }
0xbd: {  	[sflag:s0] =	ssyncadd.remote.s32 $0x1  }
0xbe: {  	_ =	sfence.sel $0xFFFF  }
0xbf: {  	[dreg:$0x0] =	wrdreg $0xFFFFFFFF;
	(pc) =	sbr.abs _section_cstart, $3  }
0xc0: {  	[dreg:$0x1] =	wrdreg $0xFFFFFFFF  }
0xc1: {  	_ =	task.clear_ibuf [dreg:s7], $0x2FFFF;
	_ =	strace $0x9FFFFFFF  }
0xc2: {  	(tm) =	ssettm $0x7FFFFFFF  }
0xc3: {  	_ =	shalt  }
tec
execute0_lowered:
.L_overlay_start_1:
0x0: {  	(tag) =	ssettag $0x1  }
0x1: {  	s3 =	rddreg [dreg:$0x0]  }
0x2: {  	s4 =	rddreg [dreg:$0x1]  }
0x3: {  	s0 =	rddreg [dreg:$0x2];
	s5 =	srdreg.scid  }
0x4: {  	s1 =	stileid.u32;
	s2 =	simm.s32 $0x0;
	s10 =	simm.s32 $0x6400  }
0x5: {  	s11 =	simm.s32 $0x0;
	s5 =	sand.u32 $0x1, s5;
	s6 =	sshll.u32 s1, $0x1  }
0x6: {  	[smem:$0x7FF] =	sst s2;
	s9 =	sshll.u32 s1, $0x4;
	s6 =	sor.u32 s5, s6  }
0x7: {  	_ =	strace $0x80000047;
	s5 =	ssub.s32 $0x2, s5;
	s31 =	sand.u32 $0x80, s9  }
0x8: {  	s9 =	simm.s32 $0x1;
	s7 =	sshll.u32 s6, $0x4;
	s8 =	sshrl.u32 s5, $0x1  }
0x9: {  	s30 =	sshll.u32 s6, $0xA;
	s4 =	sadd.s32 s4, s31;
	s7 =	sadd.s32 s7, s3  }
0xa: {  	s8 =	ssub.s32 s5, s8;
	s3 =	sadd.s32 s3, s30;
	s5 =	sadd.s32 $0x8000, s7  }
0xb: {  	s6 =	smax.u32 s8, $0x1;
	s7 =	simm.s32 $0x400;
	s8 =	simm.s32 $0x2  }
.LBB2_1:
0xc: {  	[tilespmem:s7], [sflag:$0x1] =	stream.linear.gather [hbm4b:s3+s2], $0x2000, $0x38;
	[tilespmem:$0x6480] =	vst v63  }
0xd: {  	_ = 	snop  }
0xe: {  	[tilespmem:s2], [sflag:$0x2] =	stream.linear.gather [hbm4b:s4+s2], $0x400, $0x38;
	[tilespmem:$0x6480] =	vst v63  }
0xf: {  	_ =	swait.ge [sflag:s8], $0x400  }
0x10: {  	[sflag:s8] =	ssyncset.done $0x0  }
0x11: {  	[sflag:s8] =	ssyncadd.s32 $0xFFFFFC00  }
0x12: {  	v4 =	vld [tilespmem:$0x0]  }
0x13: {  	v3 =	vld [tilespmem:$0x80]  }
0x14: {  	v2 =	vld [tilespmem:$0x100]  }
0x15: {  	v0 =	vld [tilespmem:$0x180]  }
0x16: {  	v1 =	vld [tilespmem:$0x200];
	_ =	swait.ge [sflag:s9], $0x2000  }
0x17: {  	[sflag:s9] =	ssyncset.done $0x0  }
0x18: {  	s12 =	simm.s32 $0x0;
	[sflag:s9] =	ssyncadd.s32 $0xFFFFE000  }
0x19: {  	v5 =	vld [tilespmem:s12+$0x400]  }
0x1a: {  	s13 =	simm.s32 $0x200  }
.LBB2_2:
0x1b: {  	p0 =	sne.s32 s13, $0x7E00  }
.Ltmp0:
0x1c: {  	_ = 	snop;
	(pc) =	sbr.rel @p0 .LBB2_2-.Ltmp0, $4  }
0x1d: {  	_ = 	snop  }
0x1e: {  	s14 =	sshra.s32 s13, $0x2;
	s13 =	sadd.s32 $0x200, s13;
	v6 =	vmul.f32 v5, v4  }
0x1f: {  	v5 =	vld [tilespmem:s14+$0x400]  }
0x20: {  	[tilespmem:s12+$0x2400] =	vst v6;
	s12 =	smov.u32 s14  }
0x21: {  	_ =	sdelay $0x2  }
0x22: {  	v4 =	vmul.f32 v5, v4;
	_ =	sdelay $0x1  }
0x23: {  	s13 =	simm.s32 $0x0;
	[tilespmem:s12+$0x2400] =	vst v4  }
.LBB2_4:
0x24: {  	s12 =	sshll.u32 s13, $0x8  }
0x25: {  	v4 =	vld [tilespmem:s12+$0x480]  }
0x26: {  	v5 =	vld [tilespmem:s12+$0x400]  }
0x27: {  	s14 =	simm.s32 $0x0  }
0x28: {  	v6 =	vld [tilespmem:s14+$0x2780]  }
0x29: {  	v7 =	vld [tilespmem:s14+$0x2700]  }
0x2a: {  	v9 =	vld [tilespmem:s14+$0x2400];
	v4 =	vmul.f32 v4, v3  }
0x2b: {  	v10 =	vld [tilespmem:s14+$0x2580];
	v5 =	vmul.f32 v5, v3  }
0x2c: {  	v17 =	vld [tilespmem:s14+$0x2600];
	v4 =	vadd.f32 $0.0e+00, v4  }
0x2d: {  	v5 =	vadd.f32 $0.0e+00, v5  }
0x2e: {  	v8 =	vld [tilespmem:s14+$0x2500];
	v11 =	vadd.f32 v6, v4  }
0x2f: {  	v12 =	vadd.f32 v7, v4;
	v7 =	vadd.f32 v7, v5  }
0x30: {  	v29 =	vimm.f32 $0.0e+00;
	v16 =	vadd.f32 v9, v5;
	v19 =	vadd.f32 v10, v4  }
0x31: {  	v15 =	vld [tilespmem:s14+$0x2480];
	v22 =	vadd.f32 v9, v4;
	v24 =	vadd.f32 v17, v5;
	v13 =	vmul.f32 $2.000000030e-01, v11  }
0x32: {  	v17 =	vadd.f32 v17, v4;
	v18 =	vmul.f32 $2.000000030e-01, v12;
	v20 =	vmul.f32 $2.000000030e-01, v16  }
0x33: {  	v14 =	vadd.f32 v8, v4;
	v21 =	vmul.f32 $2.000000030e-01, v19;
	v23 =	vmul.f32 $2.000000030e-01, v7  }
0x34: {  	v10 =	vadd.f32 v10, v5;
	v25 =	vmul.f32 $2.000000030e-01, v22;
	v26 =	vmul.f32 $2.000000030e-01, v17  }
0x35: {  	v11 =	vmax.f32 v11, v13;
	v13 =	vmul.f32 $2.000000030e-01, v14;
	v16 =	vmax.f32 v16, v20  }
0x36: {  	v20 =	vadd.f32 v15, v5;
	v7 =	vmax.f32 v7, v23;
	v23 =	vmul.f32 $2.000000030e-01, v24  }
0x37: {  	v12 =	vmax.f32 v12, v18;
	v9 =	vmul.f32 $1.442695020e+00, v11;
	v11 =	vld [tilespmem:s14+$0x2680];
	v16 =	vmul.f32 $1.442695020e+00, v16  }
0x38: {  	v12 =	vmul.f32 $1.442695020e+00, v12;
	v13 =	vmax.f32 v14, v13;
	v14 =	vmul.f32 $2.000000030e-01, v10  }
0x39: {  	v28 =	vimm.f32 $0.0e+00;
	v13 =	vmul.f32 $1.442695020e+00, v13;
	(erf) = vpow2.f32 v16  }
0x3a: {  	v10 =	vmax.f32 v10, v14;
	v14 =	vadd.f32 v15, v4;
	v15 =	vmul.f32 $2.000000030e-01, v20  }
0x3b: {  	v8 =	vadd.f32 v8, v5;
	v7 =	vmul.f32 $1.442695020e+00, v7;
	(erf) = vpow2.f32 v13  }
0x3c: {  	v16 =	vmul.f32 $2.000000030e-01, v14;
	v18 =	vadd.f32 v11, v4;
	v20 =	vmax.f32 v20, v15  }
0x3d: {  	v15 =	vmul.f32 $1.442695020e+00, v10;
	(erf) = vpow2.f32 v7;
	v7 =	vmax.f32 v17, v26  }
0x3e: {  	v17 =	vmax.f32 v22, v25;
	v22 =	vmul.f32 $2.000000030e-01, v8;
	v10 =	vmul.f32 $2.000000030e-01, v18  }
0x3f: {  	(erf) = vpow2.f32 v12;
	v12 =	vmul.f32 $1.442695020e+00, v17;
	v14 =	vmax.f32 v14, v16;
	v16 =	vld [tilespmem:s14+$0x400]  }
0x40: {  	v17 =	vadd.f32 v11, v5;
	v10 =	vmax.f32 v18, v10;
	v18 =	vmul.f32 $1.442695020e+00, v14  }
0x41: {  	v13 =	vmul.f32 $1.442695020e+00, v20;
	v7 =	vmul.f32 $1.442695020e+00, v7;
	v11 =	vadd.f32 v6, v5  }
0x42: {  	v6 =	vmax.f32 v8, v22;
	v8 =	vmul.f32 $2.000000030e-01, v17;
	(erf) = vpow2.f32 v18  }
0x43: {  	v25 =	vimm.f32 $0.0e+00;
	v10 =	vmul.f32 $1.442695020e+00, v10;
	v20 =	vpop (erf);
	(erf) = vpow2.f32 v12  }
0x44: {  	v14 =	vimm.f32 $0.0e+00;
	v27 =	vmul.f32 v20, v16;
	(erf) = vpow2.f32 v7  }
0x45: {  	v22 =	vld [tilespmem:s14+$0x700];
	v12 =	vmul.f32 $1.442695020e+00, v6;
	v26 =	vadd.f32 v20, v14;
	(erf) = vpow2.f32 v13  }
0x46: {  	v20 =	vld [tilespmem:s14+$0x500];
	v7 =	vmax.f32 v24, v23;
	(erf) = vpow2.f32 v10;
	v10 =	vmax.f32 v19, v21  }
0x47: {  	v32 =	vmul.f32 $2.000000030e-01, v11;
	v8 =	vmax.f32 v17, v8;
	v18 =	vld [tilespmem:s14+$0x480];
	v24 =	vpop (erf);
	v30 =	vmul.f32 $1.442695020e+00, v7  }
0x48: {  	v17 =	vimm.f32 $0.0e+00;
	v6 =	vld [tilespmem:s14+$0x600];
	v13 =	vpop (erf);
	v21 =	vmul.f32 $1.442695020e+00, v8;
	(erf) = vpow2.f32 v12  }
0x49: {  	s16 =	simm.s32 $0x1000;
	s15 =	sor.u32 $0x80, s12;
	v7 =	vld [tilespmem:s14+$0x580];
	v8 =	vimm.f32 $0.0e+00;
	v31 =	vmul.f32 $1.442695020e+00, v10;
	v12 =	vimm.f32 $0.0e+00;
	v10 =	vpop (erf)  }
.LBB2_5:
0x4a: {  	s17 =	sshra.s32 s16, $0x2;
	p0 =	sne.s32 s16, $0x7000;
	s16 =	sadd.s32 $0x1000, s16;
	v23 =	vld [tilespmem:s14+$0x680];
	v19 =	vmul.f32 v10, v22;
	(erf) = vpow2.f32 v30  }
0x4b: {  	v30 =	vld [tilespmem:s17+$0x2700];
	v33 =	vmul.f32 v24, v20;
	v11 =	vmax.f32 v11, v32;
	v32 =	vpop (erf);
	(erf) = vpow2.f32 v31  }
0x4c: {  	v27 =	vadd.f32 v27, v14;
	v31 =	vld [tilespmem:s17+$0x2600];
	v11 =	vmul.f32 $1.442695020e+00, v11;
	v14 =	vpop (erf);
	(erf) = vpow2.f32 v9  }
0x4d: {  	v9 =	vld [tilespmem:s17+$0x2780];
	v35 =	vadd.f32 v14, v29;
	v16 =	vmul.f32 v14, v16;
	v14 =	vmul.f32 v13, v22  }
0x4e: {  	v25 =	vadd.f32 v32, v25;
	v34 =	vld [tilespmem:s17+$0x2580];
	v22 =	vmul.f32 v32, v18;
	(erf) = vpow2.f32 v15;
	v15 =	vpop (erf)  }
0x4f: {  	v32 =	vld [tilespmem:s17+$0x2680];
	v16 =	vadd.f32 v16, v17;
	v17 =	vadd.f32 v24, v35;
	v24 =	vmul.f32 v15, v6;
	v29 =	vpop (erf)  }
0x50: {  	v35 =	vld [tilespmem:s17+$0x2500];
	v36 =	vadd.f32 v30, v4;
	v37 =	vmul.f32 v29, v18;
	v38 =	vpop (erf);
	(erf) = vpow2.f32 v11  }
0x51: {  	v30 =	vadd.f32 v30, v5;
	v28 =	vadd.f32 v29, v28;
	v39 =	vld [tilespmem:s17+$0x600];
	v18 =	vmul.f32 v38, v23;
	v29 =	vpop (erf)  }
0x52: {  	v40 =	vld [tilespmem:s17+$0x2400];
	v41 =	vmul.f32 $2.000000030e-01, v36;
	v11 =	vadd.f32 v9, v5;
	v9 =	vadd.f32 v9, v4  }
0x53: {  	v20 =	vmul.f32 v29, v20;
	v42 =	vadd.f32 v34, v4;
	v43 =	vpop (erf);
	(erf) = vpow2.f32 v21  }
0x54: {  	v26 =	vadd.f32 v29, v26;
	v21 =	vadd.f32 v32, v5;
	v44 =	vmul.f32 $2.000000030e-01, v9;
	v29 =	vpop (erf)  }
0x55: {  	v16 =	vadd.f32 v33, v16;
	v45 =	vadd.f32 v35, v4;
	v46 =	vmul.f32 $2.000000030e-01, v42;
	v33 =	vpop (erf)  }
0x56: {  	v48 =	vadd.f32 v15, v17;
	v47 =	vld [tilespmem:s17+$0x2480];
	v9 =	vmax.f32 v9, v44;
	v44 =	vmul.f32 v29, v7  }
0x57: {  	v25 =	vadd.f32 v29, v25;
	v15 =	vadd.f32 v40, v5;
	v17 =	vmul.f32 $2.000000030e-01, v45;
	v29 =	vld [tilespmem:s14+$0x780];
	v49 =	vpop (erf);
	s14 =	smov.u32 s17  }
0x58: {  	v34 =	vadd.f32 v34, v5;
	v42 =	vmax.f32 v42, v46;
	v46 =	vmul.f32 v49, v7  }
0x59: {  	v40 =	vadd.f32 v40, v4;
	v9 =	vmul.f32 $1.442695020e+00, v9;
	v28 =	vadd.f32 v49, v28;
	v49 =	vpop (erf)  }
0x5a: {  	v7 =	vmul.f32 $2.000000030e-01, v15;
	v17 =	vmax.f32 v45, v17;
	v45 =	vmul.f32 v43, v6;
	v6 =	vmovc v39  }
0x5b: {  	v26 =	vadd.f32 v43, v26;
	v50 =	vmul.f32 $2.000000030e-01, v34;
	v39 =	vadd.f32 v47, v5  }
0x5c: {  	v7 =	vmax.f32 v15, v7;
	v15 =	vmul.f32 $2.000000030e-01, v30;
	v43 =	vmul.f32 v49, v29;
	v51 =	vpop (erf)  }
0x5d: {  	v53 =	vadd.f32 v31, v5;
	v12 =	vadd.f32 v37, v12;
	v52 =	vmul.f32 $1.442695020e+00, v7  }
0x5e: {  	v36 =	vmax.f32 v36, v41;
	v26 =	vadd.f32 v13, v26;
	v17 =	vmul.f32 $1.442695020e+00, v17  }
0x5f: {  	v13 =	vmax.f32 v34, v50;
	v34 =	vmul.f32 v33, v29;
	v15 =	vmax.f32 v30, v15  }
0x60: {  	v12 =	vadd.f32 v46, v12;
	v29 =	vmul.f32 $2.000000030e-01, v39;
	v30 =	vadd.f32 v35, v5;
	v7 =	vld [tilespmem:s14+$0x580]  }
0x61: {  	v25 =	vadd.f32 v38, v25;
	v35 =	vadd.f32 v47, v4;
	(erf) = vpow2.f32 v52  }
0x62: {  	v16 =	vadd.f32 v24, v16;
	v36 =	vmul.f32 $1.442695020e+00, v36;
	v29 =	vmax.f32 v39, v29  }
0x63: {  	v20 =	vadd.f32 v20, v27;
	v37 =	vmul.f32 $1.442695020e+00, v15;
	v24 =	vmul.f32 $2.000000030e-01, v35  }
0x64: {  	v27 =	vmul.f32 $2.000000030e-01, v53;
	v32 =	vadd.f32 v32, v4;
	v23 =	vmul.f32 v51, v23  }
0x65: {  	v28 =	vadd.f32 v51, v28;
	v15 =	vmul.f32 $1.442695020e+00, v13;
	v13 =	vadd.f32 v31, v4  }
0x66: {  	v31 =	vmul.f32 $2.000000030e-01, v40;
	v24 =	vmax.f32 v35, v24;
	v35 =	vmul.f32 $2.000000030e-01, v32  }
0x67: {  	v38 =	vmul.f32 $2.000000030e-01, v13;
	(erf) = vpow2.f32 v17;
	v17 =	vadd.f32 v19, v16  }
0x68: {  	v25 =	vadd.f32 v33, v25;
	v19 =	vmul.f32 $1.442695020e+00, v29;
	v29 =	vmax.f32 v32, v35  }
0x69: {  	v12 =	vadd.f32 v23, v12;
	v24 =	vmul.f32 $1.442695020e+00, v24;
	v16 =	vld [tilespmem:s14+$0x400];
	(erf) = vpow2.f32 v37  }
0x6a: {  	v8 =	vadd.f32 v22, v8;
	v13 =	vmax.f32 v13, v38;
	v23 =	vmul.f32 $1.442695020e+00, v29;
	v32 =	vpop (erf)  }
0x6b: {  	v22 =	vmax.f32 v40, v31;
	v13 =	vmul.f32 $1.442695020e+00, v13;
	(erf) = vpow2.f32 v36  }
0x6c: {  	v8 =	vadd.f32 v44, v8;
	v31 =	vmax.f32 v53, v27;
	v22 =	vmul.f32 $1.442695020e+00, v22  }
0x6d: {  	v33 =	vmul.f32 $2.000000030e-01, v30;
	v35 =	vadd.f32 v45, v20;
	(erf) = vpow2.f32 v24  }
0x6e: {  	v29 =	vadd.f32 v10, v48;
	v27 =	vmul.f32 v32, v16;
	(erf) = vpow2.f32 v22  }
0x6f: {  	v28 =	vadd.f32 v49, v28;
	v10 =	vmax.f32 v30, v33;
	v30 =	vmul.f32 $1.442695020e+00, v31  }
.Ltmp1:
0x70: {  	v12 =	vadd.f32 v43, v12;
	v31 =	vmul.f32 $2.000000030e-01, v21;
	v22 =	vld [tilespmem:s14+$0x700];
	v24 =	vpop (erf);
	(erf) = vpow2.f32 v13;
	(pc) =	sbr.rel @p0 .LBB2_5-.Ltmp1, $4  }
0x71: {  	v8 =	vadd.f32 v18, v8;
	v33 =	vmul.f32 $1.442695020e+00, v10;
	v20 =	vld [tilespmem:s14+$0x500];
	(erf) = vpow2.f32 v19  }
0x72: {  	v14 =	vadd.f32 v14, v35;
	v18 =	vmax.f32 v21, v31;
	(erf) = vpow2.f32 v23;
	v13 =	vpop (erf)  }
0x73: {  	v8 =	vadd.f32 v34, v8;
	v21 =	vmul.f32 $1.442695020e+00, v18;
	(erf) = vpow2.f32 v33  }
0x74: {  	v31 =	vmul.f32 $1.442695020e+00, v42;
	v26 =	vadd.f32 v32, v26;
	v32 =	vmul.f32 $2.000000030e-01, v11;
	v18 =	vld [tilespmem:s14+$0x480];
	v10 =	vpop (erf)  }
0x75: {  	_ = 	snop  }
0x76: {  	(erf) = vpow2.f32 v30;
	v4 =	vmax.f32 v11, v32  }
0x77: {  	(erf) = vpow2.f32 v31;
	v4 =	vmul.f32 $1.442695020e+00, v4  }
0x78: {  	(erf) = vpow2.f32 v9  }
0x79: {  	v5 =	vpop (erf);
	(erf) = vpow2.f32 v15  }
0x7a: {  	v36 =	vpop (erf);
	(erf) = vpow2.f32 v4  }
0x7b: {  	v4 =	vpop (erf);
	(erf) = vpow2.f32 v21  }
0x7c: {  	v37 =	vpop (erf)  }
0x7d: {  	v38 =	vpop (erf)  }
0x7e: {  	v19 =	vpop (erf)  }
0x7f: {  	v39 =	vpop (erf)  }
0x80: {  	v23 =	vpop (erf)  }
0x81: {  	v14 =	vadd.f32 v27, v14;
	v40 =	vadd.f32 v37, v28;
	v41 =	vpop (erf)  }
0x82: {  	v25 =	vadd.f32 v5, v25;
	v29 =	vadd.f32 v36, v29;
	v42 =	vpop (erf)  }
0x83: {  	v26 =	vadd.f32 v19, v26;
	v27 =	vadd.f32 v42, v40;
	v43 =	vpop (erf)  }
0x84: {  	v29 =	vadd.f32 v24, v29;
	v25 =	vadd.f32 v23, v25;
	v44 =	vpop (erf)  }
0x85: {  	v26 =	vadd.f32 v39, v26;
	v27 =	vadd.f32 v44, v27  }
0x86: {  	v49 =	vmul.f32 v13, v22;
	v51 =	vld [tilespmem:s14+$0x680];
	v29 =	vadd.f32 v4, v29;
	v25 =	vadd.f32 v38, v25  }
0x87: {  	v9 =	vmul.f32 v36, v16;
	v45 =	vadd.f32 v13, v26;
	v46 =	vadd.f32 v43, v27  }
0x88: {  	v5 =	vmul.f32 v5, v18;
	v47 =	vadd.f32 v10, v29;
	v25 =	vadd.f32 v41, v25  }
0x89: {  	v50 =	vmul.f32 v24, v20;
	v9 =	vadd.f32 v9, v17;
	v16 =	vadd.f32 v46, v45  }
0x8a: {  	v5 =	vadd.f32 v5, v8;
	v4 =	vmul.f32 v4, v6;
	v52 =	vadd.f32 v25, v47  }
0x8b: {  	v55 =	vld [tilespmem:s14+$0x780];
	v11 =	vmul.f32 v37, v18;
	v60 =	vmul.f32 v38, v51;
	v16 =	vadd.f32 $1.000000020e-16, v16  }
0x8c: {  	v53 =	vmul.f32 v19, v20;
	v54 =	vmul.f32 v23, v7;
	v17 =	vadd.f32 $1.000000020e-16, v52  }
0x8d: {  	v11 =	vadd.f32 v11, v12;
	v56 =	vmul.f32 v42, v7;
	(erf) = vrcp.f32 v16  }
0x8e: {  	v57 =	vmul.f32 v39, v6;
	v5 =	vadd.f32 v54, v5;
	(erf) = vrcp.f32 v17  }
0x8f: {  	v58 =	vadd.f32 v53, v14;
	v7 =	vadd.f32 v56, v11;
	v59 =	vmul.f32 v44, v51  }
0x90: {  	v9 =	vadd.f32 v50, v9;
	v62 =	vmul.f32 v41, v55;
	v5 =	vadd.f32 v60, v5  }
0x91: {  	v6 =	vadd.f32 v57, v58;
	v61 =	vmul.f32 v43, v55;
	v7 =	vadd.f32 v59, v7  }
0x92: {  	v48 =	vmul.f32 v10, v22;
	v4 =	vadd.f32 v4, v9;
	v5 =	vadd.f32 v62, v5  }
0x93: {  	v6 =	vadd.f32 v49, v6;
	v7 =	vadd.f32 v61, v7  }
0x94: {  	s13 =	sadd.s32 $0x1, s13;
	v4 =	vadd.f32 v48, v4  }
0x95: {  	p0 =	sne.s32 s13, $0x20;
	v6 =	vadd.f32 v7, v6  }
.Ltmp2:
0x96: {  	v4 =	vadd.f32 v5, v4;
	v5 =	vpop (erf);
	(pc) =	sbr.rel @p0 .LBB2_4-.Ltmp2, $4  }
0x97: {  	v5 =	vmul.f32 v5, v6;
	v63 =	vpop (erf)  }
0x98: {  	v4 =	vmul.f32 v63, v4  }
0x99: {  	[tilespmem:s12+$0x4400] =	vst v5  }
0x9a: {  	s12 =	simm.s32 $0x0;
	[tilespmem:s15+$0x4400] =	vst v4  }
0x9b: {  	s13 =	simm.s32 $0x0  }
0x9c: {  	v3 =	vld [tilespmem:s13+$0x4400]  }
0x9d: {  	s14 =	simm.s32 $0x200  }
.LBB2_8:
0x9e: {  	p0 =	sne.s32 s14, $0x7E00  }
.Ltmp3:
0x9f: {  	_ = 	snop;
	(pc) =	sbr.rel @p0 .LBB2_8-.Ltmp3, $4  }
0xa0: {  	_ = 	snop  }
0xa1: {  	s15 =	sshra.s32 s14, $0x2;
	s14 =	sadd.s32 $0x200, s14;
	v4 =	vmul.f32 v3, v2  }
0xa2: {  	v3 =	vld [tilespmem:s15+$0x4400]  }
0xa3: {  	[tilespmem:s13+$0x2400] =	vst v4;
	s13 =	smov.u32 s15  }
0xa4: {  	_ =	sdelay $0x2  }
0xa5: {  	v2 =	vmul.f32 v3, v2;
	_ =	sdelay $0x1  }
0xa6: {  	v3 =	vimm.f32 $0.0e+00;
	[tilespmem:s13+$0x2400] =	vst v2;
	v2 =	vimm.f32 $0.0e+00  }
.LBB2_10:
0xa7: {  	s13 =	sshll.u32 s12, $0x8  }
0xa8: {  	s13 =	sand.u32 $0x3FFFFF00, s13  }
0xa9: {  	v4 =	vld [tilespmem:s13+$0x4480]  }
0xaa: {  	v5 =	vld [tilespmem:s13+$0x4400]  }
0xab: {  	s13 =	simm.s32 $0x0  }
0xac: {  	v6 =	vld [tilespmem:s13+$0x2780]  }
0xad: {  	v7 =	vld [tilespmem:s13+$0x2700]  }
0xae: {  	v8 =	vld [tilespmem:s13+$0x2500];
	v4 =	vmul.f32 v4, v0  }
0xaf: {  	v9 =	vld [tilespmem:s13+$0x2400];
	v5 =	vmul.f32 v5, v0  }
0xb0: {  	v10 =	vld [tilespmem:s13+$0x2580];
	v4 =	vadd.f32 v4, v1  }
0xb1: {  	v17 =	vld [tilespmem:s13+$0x2600];
	v5 =	vadd.f32 v5, v1  }
0xb2: {  	v11 =	vadd.f32 v6, v4  }
0xb3: {  	v12 =	vadd.f32 v7, v4;
	v7 =	vadd.f32 v7, v5  }
0xb4: {  	v29 =	vimm.f32 $0.0e+00;
	v14 =	vadd.f32 v8, v4;
	v16 =	vadd.f32 v9, v5  }
0xb5: {  	v19 =	vadd.f32 v10, v4;
	v10 =	vadd.f32 v10, v5;
	v13 =	vmul.f32 $2.000000030e-01, v11  }
0xb6: {  	v15 =	vld [tilespmem:s13+$0x2480];
	v22 =	vadd.f32 v9, v4;
	v24 =	vadd.f32 v17, v5;
	v18 =	vmul.f32 $2.000000030e-01, v12  }
0xb7: {  	v20 =	vmul.f32 $2.000000030e-01, v16;
	v11 =	vmax.f32 v11, v13;
	v13 =	vmul.f32 $2.000000030e-01, v14  }
0xb8: {  	v8 =	vadd.f32 v8, v5;
	v21 =	vmul.f32 $2.000000030e-01, v19;
	v25 =	vmul.f32 $2.000000030e-01, v22  }
0xb9: {  	v23 =	vld [tilespmem:s13+$0x2680];
	v12 =	vmax.f32 v12, v18;
	v9 =	vmul.f32 $1.442695020e+00, v11;
	v11 =	vmax.f32 v14, v13  }
0xba: {  	v13 =	vmul.f32 $2.000000030e-01, v10;
	v14 =	vmax.f32 v16, v20;
	v20 =	vmul.f32 $2.000000030e-01, v7  }
0xbb: {  	v12 =	vmul.f32 $1.442695020e+00, v12;
	v16 =	vadd.f32 v15, v5;
	v14 =	vmul.f32 $1.442695020e+00, v14  }
0xbc: {  	v11 =	vmul.f32 $1.442695020e+00, v11;
	v10 =	vmax.f32 v10, v13;
	v7 =	vmax.f32 v7, v20  }
0xbd: {  	v13 =	vadd.f32 v15, v4;
	v15 =	vmul.f32 $2.000000030e-01, v16;
	v20 =	vmul.f32 $2.000000030e-01, v24  }
0xbe: {  	v18 =	vadd.f32 v23, v4;
	(erf) = vpow2.f32 v14;
	v7 =	vmul.f32 $1.442695020e+00, v7  }
0xbf: {  	v14 =	vmul.f32 $2.000000030e-01, v13;
	v16 =	vmax.f32 v16, v15;
	v15 =	vmul.f32 $1.442695020e+00, v10  }
0xc0: {  	v17 =	vadd.f32 v17, v4;
	v10 =	vmul.f32 $2.000000030e-01, v18;
	(erf) = vpow2.f32 v11  }
0xc1: {  	v11 =	vadd.f32 v6, v5;
	v26 =	vmul.f32 $1.442695020e+00, v16;
	(erf) = vpow2.f32 v7  }
0xc2: {  	v13 =	vmax.f32 v13, v14;
	v14 =	vmul.f32 $2.000000030e-01, v17;
	(erf) = vpow2.f32 v12  }
0xc3: {  	v10 =	vmax.f32 v18, v10;
	v32 =	vmul.f32 $2.000000030e-01, v11;
	v13 =	vmul.f32 $1.442695020e+00, v13  }
0xc4: {  	v16 =	vld [tilespmem:s13+$0x4400];
	v10 =	vmul.f32 $1.442695020e+00, v10;
	v7 =	vmax.f32 v17, v14;
	v14 =	vmax.f32 v22, v25  }
0xc5: {  	v12 =	vadd.f32 v23, v5;
	v17 =	vmul.f32 $2.000000030e-01, v8;
	v6 =	vmul.f32 $1.442695020e+00, v14  }
0xc6: {  	v7 =	vmul.f32 $1.442695020e+00, v7;
	(erf) = vpow2.f32 v13;
	v13 =	vmax.f32 v19, v21  }
0xc7: {  	v28 =	vimm.f32 $0.0e+00;
	v31 =	vmul.f32 $1.442695020e+00, v13;
	(erf) = vpow2.f32 v6  }
0xc8: {  	v6 =	vmax.f32 v8, v17;
	v8 =	vmul.f32 $2.000000030e-01, v12;
	v14 =	vpop (erf);
	(erf) = vpow2.f32 v7  }
0xc9: {  	v22 =	vld [tilespmem:s13+$0x4700];
	v7 =	vmax.f32 v24, v20;
	v17 =	vmul.f32 $1.442695020e+00, v6;
	v27 =	vmul.f32 v14, v16  }
0xca: {  	v25 =	vimm.f32 $0.0e+00;
	v20 =	vld [tilespmem:s13+$0x4500];
	(erf) = vpow2.f32 v26;
	v30 =	vmul.f32 $1.442695020e+00, v7  }
0xcb: {  	v18 =	vld [tilespmem:s13+$0x4480];
	v8 =	vmax.f32 v12, v8;
	v26 =	vadd.f32 v14, v3;
	v24 =	vpop (erf);
	(erf) = vpow2.f32 v10  }
0xcc: {  	v6 =	vld [tilespmem:s13+$0x4600];
	v14 =	vimm.f32 $0.0e+00;
	v12 =	vimm.f32 $0.0e+00;
	v13 =	vpop (erf);
	(erf) = vpow2.f32 v17  }
0xcd: {  	s14 =	simm.s32 $0x1000;
	v7 =	vld [tilespmem:s13+$0x4580];
	v21 =	vmul.f32 $1.442695020e+00, v8;
	v8 =	vimm.f32 $0.0e+00;
	v17 =	vimm.f32 $0.0e+00;
	v10 =	vpop (erf)  }
.LBB2_11:
0xce: {  	s15 =	sshra.s32 s14, $0x2;
	p0 =	sne.s32 s14, $0x7000;
	s14 =	sadd.s32 $0x1000, s14;
	v23 =	vld [tilespmem:s13+$0x4680];
	v19 =	vmul.f32 v10, v22;
	(erf) = vpow2.f32 v30  }
0xcf: {  	v30 =	vld [tilespmem:s15+$0x2700];
	v33 =	vmul.f32 v24, v20;
	v11 =	vmax.f32 v11, v32;
	v32 =	vpop (erf);
	(erf) = vpow2.f32 v31  }
0xd0: {  	v27 =	vadd.f32 v27, v14;
	v31 =	vld [tilespmem:s15+$0x2600];
	v11 =	vmul.f32 $1.442695020e+00, v11;
	v14 =	vpop (erf);
	(erf) = vpow2.f32 v9  }
0xd1: {  	v9 =	vld [tilespmem:s15+$0x2780];
	v35 =	vadd.f32 v14, v29;
	v16 =	vmul.f32 v14, v16;
	v14 =	vmul.f32 v13, v22  }
0xd2: {  	v25 =	vadd.f32 v32, v25;
	v34 =	vld [tilespmem:s15+$0x2580];
	v22 =	vmul.f32 v32, v18;
	(erf) = vpow2.f32 v15;
	v15 =	vpop (erf)  }
0xd3: {  	v32 =	vld [tilespmem:s15+$0x2680];
	v16 =	vadd.f32 v16, v17;
	v17 =	vadd.f32 v24, v35;
	v24 =	vmul.f32 v15, v6;
	v29 =	vpop (erf)  }
0xd4: {  	v35 =	vld [tilespmem:s15+$0x2500];
	v36 =	vadd.f32 v30, v4;
	v37 =	vmul.f32 v29, v18;
	v38 =	vpop (erf);
	(erf) = vpow2.f32 v11  }
0xd5: {  	v30 =	vadd.f32 v30, v5;
	v28 =	vadd.f32 v29, v28;
	v39 =	vld [tilespmem:s15+$0x4600];
	v18 =	vmul.f32 v38, v23;
	v29 =	vpop (erf)  }
0xd6: {  	v40 =	vld [tilespmem:s15+$0x2400];
	v41 =	vmul.f32 $2.000000030e-01, v36;
	v11 =	vadd.f32 v9, v5;
	v9 =	vadd.f32 v9, v4  }
0xd7: {  	v20 =	vmul.f32 v29, v20;
	v42 =	vadd.f32 v34, v4;
	v43 =	vpop (erf);
	(erf) = vpow2.f32 v21  }
0xd8: {  	v26 =	vadd.f32 v29, v26;
	v21 =	vadd.f32 v32, v5;
	v44 =	vmul.f32 $2.000000030e-01, v9;
	v29 =	vpop (erf)  }
0xd9: {  	v16 =	vadd.f32 v33, v16;
	v45 =	vadd.f32 v35, v4;
	v46 =	vmul.f32 $2.000000030e-01, v42;
	v33 =	vpop (erf)  }
0xda: {  	v48 =	vadd.f32 v15, v17;
	v47 =	vld [tilespmem:s15+$0x2480];
	v9 =	vmax.f32 v9, v44;
	v44 =	vmul.f32 v29, v7  }
0xdb: {  	v25 =	vadd.f32 v29, v25;
	v15 =	vadd.f32 v40, v5;
	v17 =	vmul.f32 $2.000000030e-01, v45;
	v29 =	vld [tilespmem:s13+$0x4780];
	v49 =	vpop (erf);
	s13 =	smov.u32 s15  }
0xdc: {  	v34 =	vadd.f32 v34, v5;
	v42 =	vmax.f32 v42, v46;
	v46 =	vmul.f32 v49, v7  }
0xdd: {  	v40 =	vadd.f32 v40, v4;
	v9 =	vmul.f32 $1.442695020e+00, v9;
	v28 =	vadd.f32 v49, v28;
	v49 =	vpop (erf)  }
0xde: {  	v7 =	vmul.f32 $2.000000030e-01, v15;
	v17 =	vmax.f32 v45, v17;
	v45 =	vmul.f32 v43, v6;
	v6 =	vmovc v39  }
0xdf: {  	v26 =	vadd.f32 v43, v26;
	v50 =	vmul.f32 $2.000000030e-01, v34;
	v39 =	vadd.f32 v47, v5  }
0xe0: {  	v7 =	vmax.f32 v15, v7;
	v15 =	vmul.f32 $2.000000030e-01, v30;
	v43 =	vmul.f32 v49, v29;
	v51 =	vpop (erf)  }
0xe1: {  	v53 =	vadd.f32 v31, v5;
	v12 =	vadd.f32 v37, v12;
	v52 =	vmul.f32 $1.442695020e+00, v7  }
0xe2: {  	v36 =	vmax.f32 v36, v41;
	v26 =	vadd.f32 v13, v26;
	v17 =	vmul.f32 $1.442695020e+00, v17  }
0xe3: {  	v13 =	vmax.f32 v34, v50;
	v34 =	vmul.f32 v33, v29;
	v15 =	vmax.f32 v30, v15  }
0xe4: {  	v12 =	vadd.f32 v46, v12;
	v29 =	vmul.f32 $2.000000030e-01, v39;
	v30 =	vadd.f32 v35, v5;
	v7 =	vld [tilespmem:s13+$0x4580]  }
0xe5: {  	v25 =	vadd.f32 v38, v25;
	v35 =	vadd.f32 v47, v4;
	(erf) = vpow2.f32 v52  }
0xe6: {  	v16 =	vadd.f32 v24, v16;
	v36 =	vmul.f32 $1.442695020e+00, v36;
	v29 =	vmax.f32 v39, v29  }
0xe7: {  	v20 =	vadd.f32 v20, v27;
	v37 =	vmul.f32 $1.442695020e+00, v15;
	v24 =	vmul.f32 $2.000000030e-01, v35  }
0xe8: {  	v27 =	vmul.f32 $2.000000030e-01, v53;
	v32 =	vadd.f32 v32, v4;
	v23 =	vmul.f32 v51, v23  }
0xe9: {  	v28 =	vadd.f32 v51, v28;
	v15 =	vmul.f32 $1.442695020e+00, v13;
	v13 =	vadd.f32 v31, v4  }
0xea: {  	v31 =	vmul.f32 $2.000000030e-01, v40;
	v24 =	vmax.f32 v35, v24;
	v35 =	vmul.f32 $2.000000030e-01, v32  }
0xeb: {  	v38 =	vmul.f32 $2.000000030e-01, v13;
	(erf) = vpow2.f32 v17;
	v17 =	vadd.f32 v19, v16  }
0xec: {  	v25 =	vadd.f32 v33, v25;
	v19 =	vmul.f32 $1.442695020e+00, v29;
	v29 =	vmax.f32 v32, v35  }
0xed: {  	v12 =	vadd.f32 v23, v12;
	v24 =	vmul.f32 $1.442695020e+00, v24;
	v16 =	vld [tilespmem:s13+$0x4400];
	(erf) = vpow2.f32 v37  }
0xee: {  	v8 =	vadd.f32 v22, v8;
	v13 =	vmax.f32 v13, v38;
	v23 =	vmul.f32 $1.442695020e+00, v29;
	v32 =	vpop (erf)  }
0xef: {  	v22 =	vmax.f32 v40, v31;
	v13 =	vmul.f32 $1.442695020e+00, v13;
	(erf) = vpow2.f32 v36  }
0xf0: {  	v8 =	vadd.f32 v44, v8;
	v31 =	vmax.f32 v53, v27;
	v22 =	vmul.f32 $1.442695020e+00, v22  }
0xf1: {  	v33 =	vmul.f32 $2.000000030e-01, v30;
	v35 =	vadd.f32 v45, v20;
	(erf) = vpow2.f32 v24  }
0xf2: {  	v29 =	vadd.f32 v10, v48;
	v27 =	vmul.f32 v32, v16;
	(erf) = vpow2.f32 v22  }
0xf3: {  	v28 =	vadd.f32 v49, v28;
	v10 =	vmax.f32 v30, v33;
	v30 =	vmul.f32 $1.442695020e+00, v31  }
.Ltmp4:
0xf4: {  	v12 =	vadd.f32 v43, v12;
	v31 =	vmul.f32 $2.000000030e-01, v21;
	v22 =	vld [tilespmem:s13+$0x4700];
	v24 =	vpop (erf);
	(erf) = vpow2.f32 v13;
	(pc) =	sbr.rel @p0 .LBB2_11-.Ltmp4, $4  }
0xf5: {  	v8 =	vadd.f32 v18, v8;
	v33 =	vmul.f32 $1.442695020e+00, v10;
	v20 =	vld [tilespmem:s13+$0x4500];
	(erf) = vpow2.f32 v19  }
0xf6: {  	v14 =	vadd.f32 v14, v35;
	v18 =	vmax.f32 v21, v31;
	(erf) = vpow2.f32 v23;
	v13 =	vpop (erf)  }
0xf7: {  	v8 =	vadd.f32 v34, v8;
	v21 =	vmul.f32 $1.442695020e+00, v18;
	(erf) = vpow2.f32 v33  }
0xf8: {  	v31 =	vmul.f32 $1.442695020e+00, v42;
	v26 =	vadd.f32 v32, v26;
	v32 =	vmul.f32 $2.000000030e-01, v11;
	v18 =	vld [tilespmem:s13+$0x4480];
	v10 =	vpop (erf)  }
0xf9: {  	_ = 	snop  }
0xfa: {  	(erf) = vpow2.f32 v30;
	v4 =	vmax.f32 v11, v32  }
0xfb: {  	(erf) = vpow2.f32 v31;
	v4 =	vmul.f32 $1.442695020e+00, v4  }
0xfc: {  	(erf) = vpow2.f32 v9  }
0xfd: {  	v5 =	vpop (erf);
	(erf) = vpow2.f32 v15  }
0xfe: {  	v36 =	vpop (erf);
	(erf) = vpow2.f32 v4  }
0xff: {  	v4 =	vpop (erf);
	(erf) = vpow2.f32 v21  }
0x100: {  	v37 =	vpop (erf)  }
0x101: {  	v38 =	vpop (erf)  }
0x102: {  	v19 =	vpop (erf)  }
0x103: {  	v39 =	vpop (erf)  }
0x104: {  	v23 =	vpop (erf)  }
0x105: {  	v14 =	vadd.f32 v27, v14;
	v40 =	vadd.f32 v37, v28;
	v41 =	vpop (erf)  }
0x106: {  	v25 =	vadd.f32 v5, v25;
	v29 =	vadd.f32 v36, v29;
	v42 =	vpop (erf)  }
0x107: {  	v26 =	vadd.f32 v19, v26;
	v27 =	vadd.f32 v42, v40;
	v43 =	vpop (erf)  }
0x108: {  	v29 =	vadd.f32 v24, v29;
	v25 =	vadd.f32 v23, v25;
	v44 =	vpop (erf)  }
0x109: {  	v26 =	vadd.f32 v39, v26;
	v27 =	vadd.f32 v44, v27  }
0x10a: {  	v46 =	vmul.f32 v10, v22;
	v29 =	vadd.f32 v4, v29;
	v25 =	vadd.f32 v38, v25  }
0x10b: {  	v45 =	vld [tilespmem:s13+$0x4680];
	v9 =	vmul.f32 v36, v16;
	v26 =	vadd.f32 v13, v26;
	v27 =	vadd.f32 v43, v27  }
0x10c: {  	v5 =	vmul.f32 v5, v18;
	v29 =	vadd.f32 v10, v29;
	v25 =	vadd.f32 v41, v25  }
0x10d: {  	v49 =	vmul.f32 v24, v20;
	v9 =	vadd.f32 v9, v17;
	v48 =	vadd.f32 v27, v26  }
0x10e: {  	v52 =	vld [tilespmem:s13+$0x4780];
	v5 =	vadd.f32 v5, v8;
	v4 =	vmul.f32 v4, v6;
	v50 =	vadd.f32 v25, v29  }
0x10f: {  	v55 =	vadd.f32 v49, v9;
	v11 =	vmul.f32 v37, v18;
	v51 =	vadd.f32 $1.000000020e-16, v48  }
0x110: {  	v15 =	vmul.f32 v38, v45;
	v54 =	vmul.f32 v23, v7;
	v17 =	vadd.f32 $1.000000020e-16, v50  }
0x111: {  	v19 =	vmul.f32 v19, v20;
	v11 =	vadd.f32 v11, v12;
	(erf) = vrcp.f32 v51  }
0x112: {  	v53 =	vmul.f32 v42, v7;
	v5 =	vadd.f32 v54, v5;
	(erf) = vrcp.f32 v17  }
0x113: {  	v58 =	vmul.f32 v39, v6;
	v59 =	vadd.f32 v19, v14;
	v62 =	vmul.f32 v41, v52  }
0x114: {  	v56 =	vadd.f32 v53, v11;
	v57 =	vmul.f32 v44, v45;
	v5 =	vadd.f32 v15, v5  }
0x115: {  	v47 =	vmul.f32 v13, v22;
	v4 =	vadd.f32 v4, v55;
	v6 =	vadd.f32 v58, v59  }
0x116: {  	v60 =	vmul.f32 v43, v52;
	v61 =	vadd.f32 v57, v56;
	v5 =	vadd.f32 v62, v5  }
0x117: {  	v4 =	vadd.f32 v46, v4  }
0x118: {  	v6 =	vadd.f32 v47, v6;
	v7 =	vadd.f32 v60, v61;
	_ =	sdelay $0x1  }
0x119: {  	s12 =	sadd.s32 $0x1, s12;
	v4 =	vadd.f32 v5, v4;
	v6 =	vadd.f32 v7, v6;
	v5 =	vpop (erf)  }
0x11a: {  	p0 =	sne.s32 s12, $0x20;
	v63 =	vpop (erf)  }
.Ltmp5:
0x11b: {  	v5 =	vmul.f32 v5, v6;
	v4 =	vmul.f32 v63, v4;
	(pc) =	sbr.rel @p0 .LBB2_10-.Ltmp5, $3  }
0x11c: {  	_ = 	snop  }
0x11d: {  	v4 =	vadd.f32 v4, v5;
	_ =	sdelay $0x1  }
0x11e: {  	v2 =	vadd.f32 v4, v2  }
0x11f: {  	s11 =	sadd.s32 $0x1, s11  }
0x120: {  	p0 =	sne.s32 s11, s6  }
.Ltmp6:
0x121: {  	[tilespmem:$0x6400] =	vst v2;
	(pc) =	sbr.rel @p0 .LBB2_1-.Ltmp6, $4  }
0x122: {  	[hbm4b:s5+s2] =	stream.linear.scatter [tilespmem:s10], [sflag:$0x2], $0x80, $0x38;
	[tilespmem:$0x6480] =	vst v63  }
0x123: {  	_ =	swait.ge [sflag:s8], $0x80  }
0x124: {  	[sflag:s8] =	ssyncset.done $0x0  }
0x125: {  	[sflag:s8] =	ssyncadd.s32 $0xFFFFFF80  }
0x126: {  	_ =	sfence.sel $0x180000  }
0x127: {  	[bflag:$0x0] =	sbarrier.arrive $0xFFFF  }
0x128: {  	p0 =	sne.s32 s1, $0x0;
	_ =	strace $0x90000047  }
0x129: {  	s0 =	sadd.s32 @!p0 $0x100000, s0;
	[bflag:$0x2] =	sbarrier.arrive $0xFFFF  }
0x12a: {  	[sflag:s0] =	ssyncadd.tile.s32 @!p0 $0x1;
	_ =	shalt  }
.Lfunc_end2:
_tile_overlayer_lowered:
.L_overlay_start_2:
0x12b: {  	(tag) =	ssettag $0x2  }
0x12c: {  	s0 =	rddreg [dreg:$0x0];
	s2 =	stileid.u32  }
0x12d: {  	s1 =	rddreg [dreg:$0x1];
	p0 =	sne.s32 s2, $0x0  }
0x12e: {  	s3 =	rddreg [dreg:$0x2];
	[bflag:$0x3] =	sbarrier.arrive $0xFFFF;
	s2 =	simm.s32 @!p0 $0x1C02  }
0x12f: {  	[timem:s3], [sflag:s2] =	dma.local @!p0 [hbm:s0], s1  }
0x130: {  	s0 =	simm.s32 @!p0 $0x2  }
0x131: {  	_ =	swait.ge @!p0 [sflag:s0], s1  }
0x132: {  	s1 =	ssub.s32 @!p0 $0x0, s1;
	[sflag:s0] =	ssyncset.done @!p0 $0x0  }
0x133: {  	[sflag:s0] =	ssyncadd.s32 @!p0 s1  }
0x134: {  	[bflag:$0x3] =	sbarrier.arrive $0xFFFF  }
0x135: {  	_ =	shalt  }

</sc_bundles>
